<compile_context>
chip_gen: v7x
topology: tpu7x:2x2x1
jax: 0.10.2.dev20260603
libtpu: 0.0.44.dev20260713+nightly
codegen_flags: <defaults>
</compile_context>

<pallas_src>
import functools

import jax
import jax.numpy as jnp
from jax import lax
from jax.experimental import pallas as pl
from jax.experimental.pallas import tpu as pltpu
from jax.experimental.pallas import tpu_sc as plsc

NC = 2
NS = 16
NW = NC * NS
LANES = 16
CHUNK = 128
ZROWS = 64


def _pad_rows(n_nodes: int, d: int) -> int:
    unit = max(NS * 8, d)
    return -(-n_nodes // unit) * unit


@functools.cache
def _segsum_fn(n_nodes: int, d: int, nblocks: int):
    nbase = nblocks // NW
    rem = nblocks % NW
    assert nbase % 2 == 0 and nbase >= 4
    n_pad = _pad_rows(n_nodes, d)
    rpt = n_pad // NS
    crows = n_pad // d
    assert d & (d - 1) == 0
    dshift = d.bit_length() - 1
    nvec = CHUNK // LANES

    mesh = plsc.VectorSubcoreMesh(
        core_axis_name="c", subcore_axis_name="s",
        num_cores=NC, num_subcores=NS)

    scratch = [
        pltpu.VMEM_SHARED((n_pad, d), jnp.float32),
        pltpu.VMEM_SHARED((crows, d), jnp.int32),
        pltpu.VMEM((2, CHUNK), jnp.int32),
        pltpu.VMEM((2, CHUNK), jnp.int32),
        pltpu.VMEM((CHUNK,), jnp.int32),
        pltpu.VMEM((CHUNK,), jnp.int32),
        pltpu.VMEM((CHUNK, d), jnp.float32),
        pltpu.VMEM((CHUNK, d), jnp.float32),
        pltpu.VMEM((crows, d), jnp.int32),
        pltpu.VMEM((crows,), jnp.int32),
    ] + [pltpu.SemaphoreType.DMA] * 6

    @functools.partial(
        pl.kernel,
        compiler_params=pltpu.CompilerParams(needs_layout_passes=False),
        out_type=(
            jax.ShapeDtypeStruct((NC, n_pad, d), jnp.float32),
            jax.ShapeDtypeStruct((NC, crows, d), jnp.int32),
        ),
        mesh=mesh,
        scratch_types=scratch,
    )
    def segsum(x_hbm, ei_hbm, feat_hbm, cnt_hbm,
               acc, cacc, buf0, buf1, sdix0, sdix1, rows0, rows1,
               cnt, idx_id, si0, si1, sg0, sg1, ss0, ss1):
        c = lax.axis_index("c")
        s = lax.axis_index("s")
        wid = s * NC + c
        buf = (buf0, buf1)
        sdix = (sdix0, sdix1)
        rows = (rows0, rows1)
        si = (si0, si1)
        sg = (sg0, sg1)
        ss = (ss0, ss1)

        ones16 = jnp.ones((LANES,), jnp.int32)
        lastb = nbase - 1

        def start_idx(t, p):
            tc_ = jnp.minimum(t, lastb)
            pltpu.async_copy(ei_hbm.at[tc_ * NW + wid], buf[p], si[p])

        def wait_idx(p):
            pltpu.make_async_copy(ei_hbm.at[0], buf[p], si[p]).wait()

        def start_gather(p):
            pltpu.async_copy(x_hbm.at[buf[p].at[0]], rows[p], sg[p])

        def wait_gather(p):
            pltpu.make_async_copy(x_hbm.at[buf[p].at[0]], rows[p],
                                  sg[p]).wait()

        def grab_dst(p):
            for v in range(nvec):
                sdix[p][pl.ds(v * LANES, LANES)] = (
                    buf[p][1, pl.ds(v * LANES, LANES)])

        def start_scatter(p):
            pltpu.async_copy(rows[p], acc.at[sdix[p]], ss[p], add=True)

        def wait_scatter(p):
            pltpu.make_async_copy(rows[p], acc.at[sdix[p]],
                                  ss[p]).wait()

        def hist(ref, n_vec):
            for v in range(n_vec):
                dv = ref[pl.ds(v * LANES, LANES)]
                plsc.addupdate_scatter(
                    cnt,
                    [lax.shift_right_logical(dv, dshift),
                     lax.bitwise_and(dv, d - 1)],
                    ones16)

        start_idx(0, 0)
        start_idx(1, 1)

        def zrow(i, carry):
            for j in range(d // LANES):
                rows0[i, pl.ds(j * LANES, LANES)] = jnp.zeros(
                    (LANES,), jnp.float32)
            return carry
        lax.fori_loop(0, ZROWS, zrow, 0)

        def crow(i, carry):
            for j in range(d // LANES):
                cnt[i, pl.ds(j * LANES, LANES)] = jnp.zeros(
                    (LANES,), jnp.int32)
            return carry
        lax.fori_loop(0, crows, crow, 0)

        for j in range(crows // LANES):
            idx_id[pl.ds(j * LANES, LANES)] = (
                lax.iota(jnp.int32, LANES) + j * LANES)
        if crows % LANES:
            idx_id[pl.ds(crows - LANES, LANES)] = (
                lax.iota(jnp.int32, LANES) + (crows - LANES))

        zcopies = [
            pltpu.async_copy(rows0.at[pl.ds(0, ZROWS)],
                             acc.at[pl.ds(s * rpt + k * ZROWS, ZROWS)],
                             sg0)
            for k in range(rpt // ZROWS)]
        ztail = rpt % ZROWS
        if ztail:
            zcopies.append(pltpu.async_copy(
                rows0.at[pl.ds(0, ztail)],
                acc.at[pl.ds(s * rpt + rpt - ztail, ztail)], sg0))
        @pl.when(s == 0)
        def _clear_cacc():
            pltpu.sync_copy(cnt, cacc)

        wait_idx(1)
        start_gather(1)
        for zc in zcopies:
            zc.wait()
        wait_idx(0)
        start_gather(0)
        plsc.subcore_barrier()

        wait_gather(0)
        grab_dst(0)
        start_scatter(0)
        start_idx(2, 0)
        hist(sdix0, nvec)
        wait_gather(1)
        grab_dst(1)
        start_scatter(1)
        start_idx(3, 1)
        hist(sdix1, nvec)
        wait_scatter(0)
        wait_idx(0)
        start_gather(0)

        def body(t, carry):
            wait_gather(0)
            grab_dst(0)
            start_scatter(0)
            start_idx(2 * t + 2, 0)
            hist(sdix0, nvec)
            wait_scatter(1)
            wait_idx(1)
            start_gather(1)
            wait_gather(1)
            grab_dst(1)
            start_scatter(1)
            start_idx(2 * t + 3, 1)
            hist(sdix1, nvec)
            wait_scatter(0)
            wait_idx(0)
            start_gather(0)
            return carry
        lax.fori_loop(1, nbase // 2, body, 0)

        wait_gather(0)
        wait_idx(1)
        wait_scatter(1)

        if rem:
            @pl.when(wid < rem)
            def _leftover():
                pltpu.sync_copy(ei_hbm.at[nbase * NW + wid], buf0)
                pltpu.async_copy(x_hbm.at[buf0.at[0]], rows0, sg0).wait()
                grab_dst(0)
                pltpu.sync_copy(rows0, acc.at[sdix0], add=True)
                hist(sdix0, nvec)

        pltpu.sync_copy(cnt, cacc.at[idx_id], add=True)
        plsc.subcore_barrier()

        pltpu.sync_copy(acc.at[pl.ds(s * rpt, rpt)],
                        feat_hbm.at[c, pl.ds(s * rpt, rpt)])
        @pl.when(s == 0)
        def _dump_cnt():
            pltpu.sync_copy(cacc, cnt_hbm.at[c])

    return segsum


@functools.cache
def _dense_fn(n_nodes: int, d_in: int, d_out: int):
    blk = 2048
    grid = -(-n_nodes // blk)

    dn = (((1,), (1,)), ((), ()))

    def body(x_ref, p_ref, cnt_ref, deg_ref, ws_ref, bs_ref, wn_ref,
             bn_ref, o_ref):
        ns = p_ref[0] + p_ref[1]
        cnt = jnp.swapaxes(cnt_ref[0] + cnt_ref[1],
                           0, 1).astype(jnp.float32)
        agg = (lax.dot_general(ns, wn_ref[...], dn,
                               preferred_element_type=jnp.float32)
               + cnt * bn_ref[...])
        deg_col = jnp.swapaxes(deg_ref[...], 0, 1)
        denom = jnp.maximum(deg_col.astype(jnp.float32), 1.0)
        z = (lax.dot_general(x_ref[...], ws_ref[...], dn,
                             preferred_element_type=jnp.float32)
             + bs_ref[...] + agg / denom)
        o_ref[...] = jnp.where(z >= 0.0, z, 0.1 * z)

    return pl.pallas_call(
        body,
        grid=(grid,),
        in_specs=[
            pl.BlockSpec((blk, d_in), lambda i: (i, 0)),
            pl.BlockSpec((NC, blk, d_in), lambda i: (0, i, 0)),
            pl.BlockSpec((NC, 1, blk), lambda i: (0, 0, i)),
            pl.BlockSpec((1, blk), lambda i: (0, i)),
            pl.BlockSpec((d_out, d_in), lambda i: (0, 0)),
            pl.BlockSpec((1, d_out), lambda i: (0, 0)),
            pl.BlockSpec((d_out, d_in), lambda i: (0, 0)),
            pl.BlockSpec((1, d_out), lambda i: (0, 0)),
        ],
        out_specs=pl.BlockSpec((blk, d_out), lambda i: (i, 0)),
        out_shape=jax.ShapeDtypeStruct((n_nodes, d_out), jnp.float32),
    )


def kernel(x, edge_index, deg, W_self, b_self, W_neigh, b_neigh):
    b, n_nodes, d_in = x.shape
    d_out = W_neigh.shape[0]
    n_edges = edge_index.shape[1]
    assert n_edges % CHUNK == 0
    nblocks = n_edges // CHUNK

    ei = jnp.asarray(edge_index).astype(jnp.int32)
    ei3 = ei.reshape(2, nblocks, CHUNK).transpose(1, 0, 2)
    deg_i = jnp.asarray(deg).astype(jnp.int32).reshape(1, n_nodes)
    ws = W_self.astype(jnp.float32)
    wn = W_neigh.astype(jnp.float32)
    bs = b_self.astype(jnp.float32).reshape(1, d_out)
    bn = b_neigh.astype(jnp.float32).reshape(1, d_out)

    segsum = _segsum_fn(n_nodes, d_in, nblocks)
    dense = _dense_fn(n_nodes, d_in, d_out)

    outs = []
    for bi in range(b):
        xb = x[bi].astype(jnp.float32)
        feat, cnt = segsum(xb, ei3)
        cnt_n = cnt.reshape(NC, -1)[:, None, :n_nodes]
        outs.append(dense(xb, feat, cnt_n, deg_i, ws, bs, wn, bn))
    return jnp.stack(outs, axis=0).astype(x.dtype)

# --- scband reference (transcript-rebuilt; emitter-appended) ---
"""Pipeline reference for scband-hex-graph-conv-22488448762244 (READ-ONLY COPY).

The authoritative reference and input builder live on the scoring server;
editing this copy changes nothing except your own understanding.
"""

import jax, jax.numpy as jnp
import numpy as np

N_NODES = 10000
N_EDGES = 320000
D_IN = 128
D_OUT = 128
B = 1


def setup_inputs(seed: int = 0) -> dict:
    key = jax.random.key(seed)
    k_x, k_ei, k_deg, k_ws, k_bs, k_wn, k_bn = jax.random.split(key, 7)
    x = jax.random.normal(k_x, (B, N_NODES, D_IN), dtype=jnp.float32)
    edge_index = jax.random.randint(k_ei, (2, N_EDGES), 0, N_NODES, dtype=jnp.int64)
    deg = jax.random.randint(k_deg, (N_NODES,), 0, 64, dtype=jnp.int64)
    # Linear params (PyTorch convention: out = x @ W.T + b), kaiming-uniform-ish init
    bound_s = 1.0 / np.sqrt(D_IN)
    W_self = jax.random.uniform(k_ws, (D_OUT, D_IN), minval=-bound_s, maxval=bound_s, dtype=jnp.float32)
    b_self = jax.random.uniform(k_bs, (D_OUT,), minval=-bound_s, maxval=bound_s, dtype=jnp.float32)
    W_neigh = jax.random.uniform(k_wn, (D_OUT, D_IN), minval=-bound_s, maxval=bound_s, dtype=jnp.float32)
    b_neigh = jax.random.uniform(k_bn, (D_OUT,), minval=-bound_s, maxval=bound_s, dtype=jnp.float32)
    return {"x": x, "edge_index": edge_index, "deg": deg,
            "W_self": W_self, "b_self": b_self, "W_neigh": W_neigh, "b_neigh": b_neigh}


def reference(x, edge_index, deg, W_self, b_self, W_neigh, b_neigh):
    src = edge_index[0]
    dst = edge_index[1]
    Bn, N, _ = x.shape
    x_f = x.astype(jnp.float32)
    # gather source node features and apply neighbor linear
    gathered = jnp.take(x_f, src, axis=1)            # [B, E, D_IN]
    msgs = gathered @ W_neigh.T + b_neigh            # [B, E, D_OUT]
    # scatter-add messages to destination nodes
    agg = jnp.zeros((Bn, N, msgs.shape[-1]), dtype=x_f.dtype)
    agg = agg.at[:, dst, :].add(msgs)
    # normalize by clamped degree
    denom = jnp.clip(deg.astype(agg.dtype), 1.0, None).reshape(1, -1, 1)
    agg = agg / denom
    out = jax.nn.leaky_relu(x_f @ W_self.T + b_self + agg, negative_slope=0.1)
    return out.astype(x.dtype)

if __name__ == "__main__":
    import jax
    _d = setup_inputs()
    print(jax.jit(kernel)(*tuple(_d.values())))

</pallas_src>

<mosaic_0001>
#map = affine_map<(d0, d1) -> (0, 0)>
#map1 = affine_map<(d0, d1) -> (0, 0, 0)>
module attributes {stable_mosaic.version = 14 : i64} {
  func.func @segsum(%arg0: i32, %arg1: i32, %arg2: memref<10000x128xf32, #tpu.memory_space<hbm>>, %arg3: memref<2500x2x128xi32, #tpu.memory_space<hbm>>, %arg4: memref<2x10112x128xf32, #tpu.memory_space<hbm>>, %arg5: memref<2x79x128xi32, #tpu.memory_space<hbm>>, %arg6: memref<10112x128xf32, #tpu.memory_space<vmem_shared>>, %arg7: memref<79x128xi32, #tpu.memory_space<vmem_shared>>, %arg8: memref<2x128xi32, #tpu.memory_space<vmem>>, %arg9: memref<2x128xi32, #tpu.memory_space<vmem>>, %arg10: memref<128xi32, #tpu.memory_space<vmem>>, %arg11: memref<128xi32, #tpu.memory_space<vmem>>, %arg12: memref<128x128xf32, #tpu.memory_space<vmem>>, %arg13: memref<128x128xf32, #tpu.memory_space<vmem>>, %arg14: memref<79x128xi32, #tpu.memory_space<vmem>>, %arg15: memref<79xi32, #tpu.memory_space<vmem>>, %arg16: memref<!tpu.dma_semaphore, #tpu.memory_space<semaphore_mem>>, %arg17: memref<!tpu.dma_semaphore, #tpu.memory_space<semaphore_mem>>, %arg18: memref<!tpu.dma_semaphore, #tpu.memory_space<semaphore_mem>>, %arg19: memref<!tpu.dma_semaphore, #tpu.memory_space<semaphore_mem>>, %arg20: memref<!tpu.dma_semaphore, #tpu.memory_space<semaphore_mem>>, %arg21: memref<!tpu.dma_semaphore, #tpu.memory_space<semaphore_mem>>) attributes {dimension_semantics = [#tpu.dimension_semantics<core_parallel>, #tpu.dimension_semantics<subcore_parallel>], iteration_bounds = array<i64: 2, 16>, scalar_prefetch = 0 : i64, scratch_operands = 16 : i64, tpu.core_type = #tpu.core_type<sc_vector_subcore>, window_params = [{transform_indices = #map}, {transform_indices = #map1}, {transform_indices = #map1}, {transform_indices = #map1}]} {
    %mul3A = arith.constant 2 : i32
    %mul3A_0 = arith.muli %arg1, %mul3A : i32
    %add3A = arith.addi %mul3A_0, %arg0 : i32
    %broadcast_in_dim3A = arith.constant 1 : i32
    %broadcast_in_dim3A_1 = vector.broadcast %broadcast_in_dim3A : i32 to vector<16xi32>
    %min3A = arith.constant 0 : i32
    %min3A_2 = arith.constant 77 : i32
    %min3A_3 = arith.minsi %min3A, %min3A_2 : i32
    %mul3A_4 = arith.constant 32 : i32
    %mul3A_5 = arith.muli %min3A_3, %mul3A_4 : i32
    %add3A_6 = arith.addi %mul3A_5, %add3A : i32
    %dma_start3A = arith.constant 0 : i32
    %dma_start3A_7 = arith.constant 0 : i32
    %dma_start3A_8 = tpu.memref_slice %arg3[%add3A_6, %dma_start3A, %dma_start3A_7] : memref<2500x2x128xi32, #tpu.memory_space<hbm>> -> memref<1x2x128xi32, #tpu.memory_space<hbm>>
    %dma_start3A_9 = tpu.memref_squeeze %dma_start3A_8 : memref<1x2x128xi32, #tpu.memory_space<hbm>> -> memref<2x128xi32, #tpu.memory_space<hbm>>
    %dma_start3A_10 = arith.constant 0 : i32
    %dma_start3A_11 = arith.constant 0 : i32
    %dma_start3A_12 = tpu.memref_slice %arg3[%add3A_6, %dma_start3A_10, %dma_start3A_11] : memref<2500x2x128xi32, #tpu.memory_space<hbm>> -> memref<1x2x128xi32, #tpu.memory_space<hbm>>
    %dma_start3A_13 = tpu.memref_squeeze %dma_start3A_12 : memref<1x2x128xi32, #tpu.memory_space<hbm>> -> memref<2x128xi32, #tpu.memory_space<hbm>>
    tpu.enqueue_dma source(%dma_start3A_13 : memref<2x128xi32, #tpu.memory_space<hbm>>) target(%arg8 : memref<2x128xi32, #tpu.memory_space<vmem>>) target_semaphore(%arg16 : memref<!tpu.dma_semaphore, #tpu.memory_space<semaphore_mem>>)
    %min3A_14 = arith.constant 1 : i32
    %min3A_15 = arith.constant 77 : i32
    %min3A_16 = arith.minsi %min3A_14, %min3A_15 : i32
    %mul3A_17 = arith.constant 32 : i32
    %mul3A_18 = arith.muli %min3A_16, %mul3A_17 : i32
    %add3A_19 = arith.addi %mul3A_18, %add3A : i32
    %dma_start3A_20 = arith.constant 0 : i32
    %dma_start3A_21 = arith.constant 0 : i32
    %dma_start3A_22 = tpu.memref_slice %arg3[%add3A_19, %dma_start3A_20, %dma_start3A_21] : memref<2500x2x128xi32, #tpu.memory_space<hbm>> -> memref<1x2x128xi32, #tpu.memory_space<hbm>>
    %dma_start3A_23 = tpu.memref_squeeze %dma_start3A_22 : memref<1x2x128xi32, #tpu.memory_space<hbm>> -> memref<2x128xi32, #tpu.memory_space<hbm>>
    %dma_start3A_24 = arith.constant 0 : i32
    %dma_start3A_25 = arith.constant 0 : i32
    %dma_start3A_26 = tpu.memref_slice %arg3[%add3A_19, %dma_start3A_24, %dma_start3A_25] : memref<2500x2x128xi32, #tpu.memory_space<hbm>> -> memref<1x2x128xi32, #tpu.memory_space<hbm>>
    %dma_start3A_27 = tpu.memref_squeeze %dma_start3A_26 : memref<1x2x128xi32, #tpu.memory_space<hbm>> -> memref<2x128xi32, #tpu.memory_space<hbm>>
    tpu.enqueue_dma source(%dma_start3A_27 : memref<2x128xi32, #tpu.memory_space<hbm>>) target(%arg9 : memref<2x128xi32, #tpu.memory_space<vmem>>) target_semaphore(%arg17 : memref<!tpu.dma_semaphore, #tpu.memory_space<semaphore_mem>>)
    %scan3A = arith.constant 0 : i32
    %scan3A_28 = arith.constant 0 : i32
    %scan3A_29 = arith.constant 64 : i32
    %scan3A_30 = arith.addi %scan3A_28, %scan3A_29 : i32
    %scan3A_31 = arith.constant 1 : i32
    scf.for %scan3A_668 = %scan3A_28 to %scan3A_30 step %scan3A_31  : i32 {
      %broadcast_in_dim3A_669 = arith.constant 0.000000e+00 : f32
      %broadcast_in_dim3A_670 = vector.broadcast %broadcast_in_dim3A_669 : f32 to vector<16xf32>
      %swap3A_671 = arith.index_cast %scan3A_668 : i32 to index
      %swap3A_672 = arith.constant 0 : index
      %swap3A_673 = tpu.vector_load %arg12[%swap3A_671, %swap3A_672] {strides = array<i32>} : memref<128x128xf32, #tpu.memory_space<vmem>>, vector<16xf32>,
      tpu.vector_store %arg12[%swap3A_671, %swap3A_672], %broadcast_in_dim3A_670 {strides = array<i32>} : memref<128x128xf32, #tpu.memory_space<vmem>>, vector<16xf32>,
      %broadcast_in_dim3A_674 = arith.constant 0.000000e+00 : f32
      %broadcast_in_dim3A_675 = vector.broadcast %broadcast_in_dim3A_674 : f32 to vector<16xf32>
      %swap3A_676 = arith.index_cast %scan3A_668 : i32 to index
      %swap3A_677 = arith.constant 16 : index
      %swap3A_678 = tpu.vector_load %arg12[%swap3A_676, %swap3A_677] {strides = array<i32>} : memref<128x128xf32, #tpu.memory_space<vmem>>, vector<16xf32>,
      tpu.vector_store %arg12[%swap3A_676, %swap3A_677], %broadcast_in_dim3A_675 {strides = array<i32>} : memref<128x128xf32, #tpu.memory_space<vmem>>, vector<16xf32>,
      %broadcast_in_dim3A_679 = arith.constant 0.000000e+00 : f32
      %broadcast_in_dim3A_680 = vector.broadcast %broadcast_in_dim3A_679 : f32 to vector<16xf32>
      %swap3A_681 = arith.index_cast %scan3A_668 : i32 to index
      %swap3A_682 = arith.constant 32 : index
      %swap3A_683 = tpu.vector_load %arg12[%swap3A_681, %swap3A_682] {strides = array<i32>} : memref<128x128xf32, #tpu.memory_space<vmem>>, vector<16xf32>,
      tpu.vector_store %arg12[%swap3A_681, %swap3A_682], %broadcast_in_dim3A_680 {strides = array<i32>} : memref<128x128xf32, #tpu.memory_space<vmem>>, vector<16xf32>,
      %broadcast_in_dim3A_684 = arith.constant 0.000000e+00 : f32
      %broadcast_in_dim3A_685 = vector.broadcast %broadcast_in_dim3A_684 : f32 to vector<16xf32>
      %swap3A_686 = arith.index_cast %scan3A_668 : i32 to index
      %swap3A_687 = arith.constant 48 : index
      %swap3A_688 = tpu.vector_load %arg12[%swap3A_686, %swap3A_687] {strides = array<i32>} : memref<128x128xf32, #tpu.memory_space<vmem>>, vector<16xf32>,
      tpu.vector_store %arg12[%swap3A_686, %swap3A_687], %broadcast_in_dim3A_685 {strides = array<i32>} : memref<128x128xf32, #tpu.memory_space<vmem>>, vector<16xf32>,
      %broadcast_in_dim3A_689 = arith.constant 0.000000e+00 : f32
      %broadcast_in_dim3A_690 = vector.broadcast %broadcast_in_dim3A_689 : f32 to vector<16xf32>
      %swap3A_691 = arith.index_cast %scan3A_668 : i32 to index
      %swap3A_692 = arith.constant 64 : index
      %swap3A_693 = tpu.vector_load %arg12[%swap3A_691, %swap3A_692] {strides = array<i32>} : memref<128x128xf32, #tpu.memory_space<vmem>>, vector<16xf32>,
      tpu.vector_store %arg12[%swap3A_691, %swap3A_692], %broadcast_in_dim3A_690 {strides = array<i32>} : memref<128x128xf32, #tpu.memory_space<vmem>>, vector<16xf32>,
      %broadcast_in_dim3A_694 = arith.constant 0.000000e+00 : f32
      %broadcast_in_dim3A_695 = vector.broadcast %broadcast_in_dim3A_694 : f32 to vector<16xf32>
      %swap3A_696 = arith.index_cast %scan3A_668 : i32 to index
      %swap3A_697 = arith.constant 80 : index
      %swap3A_698 = tpu.vector_load %arg12[%swap3A_696, %swap3A_697] {strides = array<i32>} : memref<128x128xf32, #tpu.memory_space<vmem>>, vector<16xf32>,
      tpu.vector_store %arg12[%swap3A_696, %swap3A_697], %broadcast_in_dim3A_695 {strides = array<i32>} : memref<128x128xf32, #tpu.memory_space<vmem>>, vector<16xf32>,
      %broadcast_in_dim3A_699 = arith.constant 0.000000e+00 : f32
      %broadcast_in_dim3A_700 = vector.broadcast %broadcast_in_dim3A_699 : f32 to vector<16xf32>
      %swap3A_701 = arith.index_cast %scan3A_668 : i32 to index
      %swap3A_702 = arith.constant 96 : index
      %swap3A_703 = tpu.vector_load %arg12[%swap3A_701, %swap3A_702] {strides = array<i32>} : memref<128x128xf32, #tpu.memory_space<vmem>>, vector<16xf32>,
      tpu.vector_store %arg12[%swap3A_701, %swap3A_702], %broadcast_in_dim3A_700 {strides = array<i32>} : memref<128x128xf32, #tpu.memory_space<vmem>>, vector<16xf32>,
      %broadcast_in_dim3A_704 = arith.constant 0.000000e+00 : f32
      %broadcast_in_dim3A_705 = vector.broadcast %broadcast_in_dim3A_704 : f32 to vector<16xf32>
      %swap3A_706 = arith.index_cast %scan3A_668 : i32 to index
      %swap3A_707 = arith.constant 112 : index
      %swap3A_708 = tpu.vector_load %arg12[%swap3A_706, %swap3A_707] {strides = array<i32>} : memref<128x128xf32, #tpu.memory_space<vmem>>, vector<16xf32>,
      tpu.vector_store %arg12[%swap3A_706, %swap3A_707], %broadcast_in_dim3A_705 {strides = array<i32>} : memref<128x128xf32, #tpu.memory_space<vmem>>, vector<16xf32>,
    }
    %scan3A_32 = arith.constant 64 : i32
    %scan3A_33 = arith.constant 0 : i32
    %scan3A_34 = arith.constant 0 : i32
    %scan3A_35 = arith.constant 79 : i32
    %scan3A_36 = arith.addi %scan3A_34, %scan3A_35 : i32
    %scan3A_37 = arith.constant 1 : i32
    scf.for %scan3A_668 = %scan3A_34 to %scan3A_36 step %scan3A_37  : i32 {
      %broadcast_in_dim3A_669 = arith.constant 0 : i32
      %broadcast_in_dim3A_670 = vector.broadcast %broadcast_in_dim3A_669 : i32 to vector<16xi32>
      %swap3A_671 = arith.index_cast %scan3A_668 : i32 to index
      %swap3A_672 = arith.constant 0 : index
      %swap3A_673 = tpu.vector_load %arg14[%swap3A_671, %swap3A_672] {strides = array<i32>} : memref<79x128xi32, #tpu.memory_space<vmem>>, vector<16xi32>,
      tpu.vector_store %arg14[%swap3A_671, %swap3A_672], %broadcast_in_dim3A_670 {strides = array<i32>} : memref<79x128xi32, #tpu.memory_space<vmem>>, vector<16xi32>,
      %broadcast_in_dim3A_674 = arith.constant 0 : i32
      %broadcast_in_dim3A_675 = vector.broadcast %broadcast_in_dim3A_674 : i32 to vector<16xi32>
      %swap3A_676 = arith.index_cast %scan3A_668 : i32 to index
      %swap3A_677 = arith.constant 16 : index
      %swap3A_678 = tpu.vector_load %arg14[%swap3A_676, %swap3A_677] {strides = array<i32>} : memref<79x128xi32, #tpu.memory_space<vmem>>, vector<16xi32>,
      tpu.vector_store %arg14[%swap3A_676, %swap3A_677], %broadcast_in_dim3A_675 {strides = array<i32>} : memref<79x128xi32, #tpu.memory_space<vmem>>, vector<16xi32>,
      %broadcast_in_dim3A_679 = arith.constant 0 : i32
      %broadcast_in_dim3A_680 = vector.broadcast %broadcast_in_dim3A_679 : i32 to vector<16xi32>
      %swap3A_681 = arith.index_cast %scan3A_668 : i32 to index
      %swap3A_682 = arith.constant 32 : index
      %swap3A_683 = tpu.vector_load %arg14[%swap3A_681, %swap3A_682] {strides = array<i32>} : memref<79x128xi32, #tpu.memory_space<vmem>>, vector<16xi32>,
      tpu.vector_store %arg14[%swap3A_681, %swap3A_682], %broadcast_in_dim3A_680 {strides = array<i32>} : memref<79x128xi32, #tpu.memory_space<vmem>>, vector<16xi32>,
      %broadcast_in_dim3A_684 = arith.constant 0 : i32
      %broadcast_in_dim3A_685 = vector.broadcast %broadcast_in_dim3A_684 : i32 to vector<16xi32>
      %swap3A_686 = arith.index_cast %scan3A_668 : i32 to index
      %swap3A_687 = arith.constant 48 : index
      %swap3A_688 = tpu.vector_load %arg14[%swap3A_686, %swap3A_687] {strides = array<i32>} : memref<79x128xi32, #tpu.memory_space<vmem>>, vector<16xi32>,
      tpu.vector_store %arg14[%swap3A_686, %swap3A_687], %broadcast_in_dim3A_685 {strides = array<i32>} : memref<79x128xi32, #tpu.memory_space<vmem>>, vector<16xi32>,
      %broadcast_in_dim3A_689 = arith.constant 0 : i32
      %broadcast_in_dim3A_690 = vector.broadcast %broadcast_in_dim3A_689 : i32 to vector<16xi32>
      %swap3A_691 = arith.index_cast %scan3A_668 : i32 to index
      %swap3A_692 = arith.constant 64 : index
      %swap3A_693 = tpu.vector_load %arg14[%swap3A_691, %swap3A_692] {strides = array<i32>} : memref<79x128xi32, #tpu.memory_space<vmem>>, vector<16xi32>,
      tpu.vector_store %arg14[%swap3A_691, %swap3A_692], %broadcast_in_dim3A_690 {strides = array<i32>} : memref<79x128xi32, #tpu.memory_space<vmem>>, vector<16xi32>,
      %broadcast_in_dim3A_694 = arith.constant 0 : i32
      %broadcast_in_dim3A_695 = vector.broadcast %broadcast_in_dim3A_694 : i32 to vector<16xi32>
      %swap3A_696 = arith.index_cast %scan3A_668 : i32 to index
      %swap3A_697 = arith.constant 80 : index
      %swap3A_698 = tpu.vector_load %arg14[%swap3A_696, %swap3A_697] {strides = array<i32>} : memref<79x128xi32, #tpu.memory_space<vmem>>, vector<16xi32>,
      tpu.vector_store %arg14[%swap3A_696, %swap3A_697], %broadcast_in_dim3A_695 {strides = array<i32>} : memref<79x128xi32, #tpu.memory_space<vmem>>, vector<16xi32>,
      %broadcast_in_dim3A_699 = arith.constant 0 : i32
      %broadcast_in_dim3A_700 = vector.broadcast %broadcast_in_dim3A_699 : i32 to vector<16xi32>
      %swap3A_701 = arith.index_cast %scan3A_668 : i32 to index
      %swap3A_702 = arith.constant 96 : index
      %swap3A_703 = tpu.vector_load %arg14[%swap3A_701, %swap3A_702] {strides = array<i32>} : memref<79x128xi32, #tpu.memory_space<vmem>>, vector<16xi32>,
      tpu.vector_store %arg14[%swap3A_701, %swap3A_702], %broadcast_in_dim3A_700 {strides = array<i32>} : memref<79x128xi32, #tpu.memory_space<vmem>>, vector<16xi32>,
      %broadcast_in_dim3A_704 = arith.constant 0 : i32
      %broadcast_in_dim3A_705 = vector.broadcast %broadcast_in_dim3A_704 : i32 to vector<16xi32>
      %swap3A_706 = arith.index_cast %scan3A_668 : i32 to index
      %swap3A_707 = arith.constant 112 : index
      %swap3A_708 = tpu.vector_load %arg14[%swap3A_706, %swap3A_707] {strides = array<i32>} : memref<79x128xi32, #tpu.memory_space<vmem>>, vector<16xi32>,
      tpu.vector_store %arg14[%swap3A_706, %swap3A_707], %broadcast_in_dim3A_705 {strides = array<i32>} : memref<79x128xi32, #tpu.memory_space<vmem>>, vector<16xi32>,
    }
    %scan3A_38 = arith.constant 79 : i32
    %iota3A = tpu.iota {dimensions = array<i32: 0>} : vector<16xi32>
    %add3A_39 = arith.constant 0 : i32
    %add3A_40 = vector.broadcast %add3A_39 : i32 to vector<16xi32>
    %add3A_41 = arith.addi %iota3A, %add3A_40 : vector<16xi32>
    %swap3A = arith.constant 0 : index
    %swap3A_42 = tpu.vector_load %arg15[%swap3A] {strides = array<i32>} : memref<79xi32, #tpu.memory_space<vmem>>, vector<16xi32>,
    tpu.vector_store %arg15[%swap3A], %add3A_41 {strides = array<i32>} : memref<79xi32, #tpu.memory_space<vmem>>, vector<16xi32>,
    %iota3A_43 = tpu.iota {dimensions = array<i32: 0>} : vector<16xi32>
    %add3A_44 = arith.constant 16 : i32
    %add3A_45 = vector.broadcast %add3A_44 : i32 to vector<16xi32>
    %add3A_46 = arith.addi %iota3A_43, %add3A_45 : vector<16xi32>
    %swap3A_47 = arith.constant 16 : index
    %swap3A_48 = tpu.vector_load %arg15[%swap3A_47] {strides = array<i32>} : memref<79xi32, #tpu.memory_space<vmem>>, vector<16xi32>,
    tpu.vector_store %arg15[%swap3A_47], %add3A_46 {strides = array<i32>} : memref<79xi32, #tpu.memory_space<vmem>>, vector<16xi32>,
    %iota3A_49 = tpu.iota {dimensions = array<i32: 0>} : vector<16xi32>
    %add3A_50 = arith.constant 32 : i32
    %add3A_51 = vector.broadcast %add3A_50 : i32 to vector<16xi32>
    %add3A_52 = arith.addi %iota3A_49, %add3A_51 : vector<16xi32>
    %swap3A_53 = arith.constant 32 : index
    %swap3A_54 = tpu.vector_load %arg15[%swap3A_53] {strides = array<i32>} : memref<79xi32, #tpu.memory_space<vmem>>, vector<16xi32>,
    tpu.vector_store %arg15[%swap3A_53], %add3A_52 {strides = array<i32>} : memref<79xi32, #tpu.memory_space<vmem>>, vector<16xi32>,
    %iota3A_55 = tpu.iota {dimensions = array<i32: 0>} : vector<16xi32>
    %add3A_56 = arith.constant 48 : i32
    %add3A_57 = vector.broadcast %add3A_56 : i32 to vector<16xi32>
    %add3A_58 = arith.addi %iota3A_55, %add3A_57 : vector<16xi32>
    %swap3A_59 = arith.constant 48 : index
    %swap3A_60 = tpu.vector_load %arg15[%swap3A_59] {strides = array<i32>} : memref<79xi32, #tpu.memory_space<vmem>>, vector<16xi32>,
    tpu.vector_store %arg15[%swap3A_59], %add3A_58 {strides = array<i32>} : memref<79xi32, #tpu.memory_space<vmem>>, vector<16xi32>,
    %iota3A_61 = tpu.iota {dimensions = array<i32: 0>} : vector<16xi32>
    %add3A_62 = arith.constant 63 : i32
    %add3A_63 = vector.broadcast %add3A_62 : i32 to vector<16xi32>
    %add3A_64 = arith.addi %iota3A_61, %add3A_63 : vector<16xi32>
    %swap3A_65 = arith.constant 63 : index
    %swap3A_66 = tpu.vector_load %arg15[%swap3A_65] {strides = array<i32>} : memref<79xi32, #tpu.memory_space<vmem>>, vector<16xi32>,
    tpu.vector_store %arg15[%swap3A_65], %add3A_64 {strides = array<i32>} : memref<79xi32, #tpu.memory_space<vmem>>, vector<16xi32>,
    %mul3A_67 = arith.constant 632 : i32
    %mul3A_68 = arith.muli %arg1, %mul3A_67 : i32
    %add3A_69 = arith.constant 0 : i32
    %add3A_70 = arith.addi %mul3A_68, %add3A_69 : i32
    %dma_start3A_71 = arith.constant 0 : i32
    %dma_start3A_72 = arith.constant 0 : i32
    %dma_start3A_73 = tpu.memref_slice %arg12[%dma_start3A_71, %dma_start3A_72] : memref<128x128xf32, #tpu.memory_space<vmem>> -> memref<64x128xf32, #tpu.memory_space<vmem>>
    %dma_start3A_74 = arith.constant 0 : i32
    %dma_start3A_75 = tpu.memref_slice %arg6[%add3A_70, %dma_start3A_74] : memref<10112x128xf32, #tpu.memory_space<vmem_shared>> -> memref<64x128xf32, #tpu.memory_space<vmem_shared>>
    %dma_start3A_76 = arith.constant 0 : i32
    %dma_start3A_77 = tpu.memref_slice %arg6[%add3A_70, %dma_start3A_76] : memref<10112x128xf32, #tpu.memory_space<vmem_shared>> -> memref<64x128xf32, #tpu.memory_space<vmem_shared>>
    %dma_start3A_78 = arith.constant 0 : i32
    %dma_start3A_79 = arith.constant 0 : i32
    %dma_start3A_80 = tpu.memref_slice %arg12[%dma_start3A_78, %dma_start3A_79] : memref<128x128xf32, #tpu.memory_space<vmem>> -> memref<64x128xf32, #tpu.memory_space<vmem>>
    tpu.enqueue_dma source(%dma_start3A_80 : memref<64x128xf32, #tpu.memory_space<vmem>>) target(%dma_start3A_77 : memref<64x128xf32, #tpu.memory_space<vmem_shared>>) target_semaphore(%arg18 : memref<!tpu.dma_semaphore, #tpu.memory_space<semaphore_mem>>)
    %mul3A_81 = arith.constant 632 : i32
    %mul3A_82 = arith.muli %arg1, %mul3A_81 : i32
    %add3A_83 = arith.constant 64 : i32
    %add3A_84 = arith.addi %mul3A_82, %add3A_83 : i32
    %dma_start3A_85 = arith.constant 0 : i32
    %dma_start3A_86 = arith.constant 0 : i32
    %dma_start3A_87 = tpu.memref_slice %arg12[%dma_start3A_85, %dma_start3A_86] : memref<128x128xf32, #tpu.memory_space<vmem>> -> memref<64x128xf32, #tpu.memory_space<vmem>>
    %dma_start3A_88 = arith.constant 0 : i32
    %dma_start3A_89 = tpu.memref_slice %arg6[%add3A_84, %dma_start3A_88] : memref<10112x128xf32, #tpu.memory_space<vmem_shared>> -> memref<64x128xf32, #tpu.memory_space<vmem_shared>>
    %dma_start3A_90 = arith.constant 0 : i32
    %dma_start3A_91 = tpu.memref_slice %arg6[%add3A_84, %dma_start3A_90] : memref<10112x128xf32, #tpu.memory_space<vmem_shared>> -> memref<64x128xf32, #tpu.memory_space<vmem_shared>>
    %dma_start3A_92 = arith.constant 0 : i32
    %dma_start3A_93 = arith.constant 0 : i32
    %dma_start3A_94 = tpu.memref_slice %arg12[%dma_start3A_92, %dma_start3A_93] : memref<128x128xf32, #tpu.memory_space<vmem>> -> memref<64x128xf32, #tpu.memory_space<vmem>>
    tpu.enqueue_dma source(%dma_start3A_94 : memref<64x128xf32, #tpu.memory_space<vmem>>) target(%dma_start3A_91 : memref<64x128xf32, #tpu.memory_space<vmem_shared>>) target_semaphore(%arg18 : memref<!tpu.dma_semaphore, #tpu.memory_space<semaphore_mem>>)
    %mul3A_95 = arith.constant 632 : i32
    %mul3A_96 = arith.muli %arg1, %mul3A_95 : i32
    %add3A_97 = arith.constant 128 : i32
    %add3A_98 = arith.addi %mul3A_96, %add3A_97 : i32
    %dma_start3A_99 = arith.constant 0 : i32
    %dma_start3A_100 = arith.constant 0 : i32
    %dma_start3A_101 = tpu.memref_slice %arg12[%dma_start3A_99, %dma_start3A_100] : memref<128x128xf32, #tpu.memory_space<vmem>> -> memref<64x128xf32, #tpu.memory_space<vmem>>
    %dma_start3A_102 = arith.constant 0 : i32
    %dma_start3A_103 = tpu.memref_slice %arg6[%add3A_98, %dma_start3A_102] : memref<10112x128xf32, #tpu.memory_space<vmem_shared>> -> memref<64x128xf32, #tpu.memory_space<vmem_shared>>
    %dma_start3A_104 = arith.constant 0 : i32
    %dma_start3A_105 = tpu.memref_slice %arg6[%add3A_98, %dma_start3A_104] : memref<10112x128xf32, #tpu.memory_space<vmem_shared>> -> memref<64x128xf32, #tpu.memory_space<vmem_shared>>
    %dma_start3A_106 = arith.constant 0 : i32
    %dma_start3A_107 = arith.constant 0 : i32
    %dma_start3A_108 = tpu.memref_slice %arg12[%dma_start3A_106, %dma_start3A_107] : memref<128x128xf32, #tpu.memory_space<vmem>> -> memref<64x128xf32, #tpu.memory_space<vmem>>
    tpu.enqueue_dma source(%dma_start3A_108 : memref<64x128xf32, #tpu.memory_space<vmem>>) target(%dma_start3A_105 : memref<64x128xf32, #tpu.memory_space<vmem_shared>>) target_semaphore(%arg18 : memref<!tpu.dma_semaphore, #tpu.memory_space<semaphore_mem>>)
    %mul3A_109 = arith.constant 632 : i32
    %mul3A_110 = arith.muli %arg1, %mul3A_109 : i32
    %add3A_111 = arith.constant 192 : i32
    %add3A_112 = arith.addi %mul3A_110, %add3A_111 : i32
    %dma_start3A_113 = arith.constant 0 : i32
    %dma_start3A_114 = arith.constant 0 : i32
    %dma_start3A_115 = tpu.memref_slice %arg12[%dma_start3A_113, %dma_start3A_114] : memref<128x128xf32, #tpu.memory_space<vmem>> -> memref<64x128xf32, #tpu.memory_space<vmem>>
    %dma_start3A_116 = arith.constant 0 : i32
    %dma_start3A_117 = tpu.memref_slice %arg6[%add3A_112, %dma_start3A_116] : memref<10112x128xf32, #tpu.memory_space<vmem_shared>> -> memref<64x128xf32, #tpu.memory_space<vmem_shared>>
    %dma_start3A_118 = arith.constant 0 : i32
    %dma_start3A_119 = tpu.memref_slice %arg6[%add3A_112, %dma_start3A_118] : memref<10112x128xf32, #tpu.memory_space<vmem_shared>> -> memref<64x128xf32, #tpu.memory_space<vmem_shared>>
    %dma_start3A_120 = arith.constant 0 : i32
    %dma_start3A_121 = arith.constant 0 : i32
    %dma_start3A_122 = tpu.memref_slice %arg12[%dma_start3A_120, %dma_start3A_121] : memref<128x128xf32, #tpu.memory_space<vmem>> -> memref<64x128xf32, #tpu.memory_space<vmem>>
    tpu.enqueue_dma source(%dma_start3A_122 : memref<64x128xf32, #tpu.memory_space<vmem>>) target(%dma_start3A_119 : memref<64x128xf32, #tpu.memory_space<vmem_shared>>) target_semaphore(%arg18 : memref<!tpu.dma_semaphore, #tpu.memory_space<semaphore_mem>>)
    %mul3A_123 = arith.constant 632 : i32
    %mul3A_124 = arith.muli %arg1, %mul3A_123 : i32
    %add3A_125 = arith.constant 256 : i32
    %add3A_126 = arith.addi %mul3A_124, %add3A_125 : i32
    %dma_start3A_127 = arith.constant 0 : i32
    %dma_start3A_128 = arith.constant 0 : i32
    %dma_start3A_129 = tpu.memref_slice %arg12[%dma_start3A_127, %dma_start3A_128] : memref<128x128xf32, #tpu.memory_space<vmem>> -> memref<64x128xf32, #tpu.memory_space<vmem>>
    %dma_start3A_130 = arith.constant 0 : i32
    %dma_start3A_131 = tpu.memref_slice %arg6[%add3A_126, %dma_start3A_130] : memref<10112x128xf32, #tpu.memory_space<vmem_shared>> -> memref<64x128xf32, #tpu.memory_space<vmem_shared>>
    %dma_start3A_132 = arith.constant 0 : i32
    %dma_start3A_133 = tpu.memref_slice %arg6[%add3A_126, %dma_start3A_132] : memref<10112x128xf32, #tpu.memory_space<vmem_shared>> -> memref<64x128xf32, #tpu.memory_space<vmem_shared>>
    %dma_start3A_134 = arith.constant 0 : i32
    %dma_start3A_135 = arith.constant 0 : i32
    %dma_start3A_136 = tpu.memref_slice %arg12[%dma_start3A_134, %dma_start3A_135] : memref<128x128xf32, #tpu.memory_space<vmem>> -> memref<64x128xf32, #tpu.memory_space<vmem>>
    tpu.enqueue_dma source(%dma_start3A_136 : memref<64x128xf32, #tpu.memory_space<vmem>>) target(%dma_start3A_133 : memref<64x128xf32, #tpu.memory_space<vmem_shared>>) target_semaphore(%arg18 : memref<!tpu.dma_semaphore, #tpu.memory_space<semaphore_mem>>)
    %mul3A_137 = arith.constant 632 : i32
    %mul3A_138 = arith.muli %arg1, %mul3A_137 : i32
    %add3A_139 = arith.constant 320 : i32
    %add3A_140 = arith.addi %mul3A_138, %add3A_139 : i32
    %dma_start3A_141 = arith.constant 0 : i32
    %dma_start3A_142 = arith.constant 0 : i32
    %dma_start3A_143 = tpu.memref_slice %arg12[%dma_start3A_141, %dma_start3A_142] : memref<128x128xf32, #tpu.memory_space<vmem>> -> memref<64x128xf32, #tpu.memory_space<vmem>>
    %dma_start3A_144 = arith.constant 0 : i32
    %dma_start3A_145 = tpu.memref_slice %arg6[%add3A_140, %dma_start3A_144] : memref<10112x128xf32, #tpu.memory_space<vmem_shared>> -> memref<64x128xf32, #tpu.memory_space<vmem_shared>>
    %dma_start3A_146 = arith.constant 0 : i32
    %dma_start3A_147 = tpu.memref_slice %arg6[%add3A_140, %dma_start3A_146] : memref<10112x128xf32, #tpu.memory_space<vmem_shared>> -> memref<64x128xf32, #tpu.memory_space<vmem_shared>>
    %dma_start3A_148 = arith.constant 0 : i32
    %dma_start3A_149 = arith.constant 0 : i32
    %dma_start3A_150 = tpu.memref_slice %arg12[%dma_start3A_148, %dma_start3A_149] : memref<128x128xf32, #tpu.memory_space<vmem>> -> memref<64x128xf32, #tpu.memory_space<vmem>>
    tpu.enqueue_dma source(%dma_start3A_150 : memref<64x128xf32, #tpu.memory_space<vmem>>) target(%dma_start3A_147 : memref<64x128xf32, #tpu.memory_space<vmem_shared>>) target_semaphore(%arg18 : memref<!tpu.dma_semaphore, #tpu.memory_space<semaphore_mem>>)
    %mul3A_151 = arith.constant 632 : i32
    %mul3A_152 = arith.muli %arg1, %mul3A_151 : i32
    %add3A_153 = arith.constant 384 : i32
    %add3A_154 = arith.addi %mul3A_152, %add3A_153 : i32
    %dma_start3A_155 = arith.constant 0 : i32
    %dma_start3A_156 = arith.constant 0 : i32
    %dma_start3A_157 = tpu.memref_slice %arg12[%dma_start3A_155, %dma_start3A_156] : memref<128x128xf32, #tpu.memory_space<vmem>> -> memref<64x128xf32, #tpu.memory_space<vmem>>
    %dma_start3A_158 = arith.constant 0 : i32
    %dma_start3A_159 = tpu.memref_slice %arg6[%add3A_154, %dma_start3A_158] : memref<10112x128xf32, #tpu.memory_space<vmem_shared>> -> memref<64x128xf32, #tpu.memory_space<vmem_shared>>
    %dma_start3A_160 = arith.constant 0 : i32
    %dma_start3A_161 = tpu.memref_slice %arg6[%add3A_154, %dma_start3A_160] : memref<10112x128xf32, #tpu.memory_space<vmem_shared>> -> memref<64x128xf32, #tpu.memory_space<vmem_shared>>
    %dma_start3A_162 = arith.constant 0 : i32
    %dma_start3A_163 = arith.constant 0 : i32
    %dma_start3A_164 = tpu.memref_slice %arg12[%dma_start3A_162, %dma_start3A_163] : memref<128x128xf32, #tpu.memory_space<vmem>> -> memref<64x128xf32, #tpu.memory_space<vmem>>
    tpu.enqueue_dma source(%dma_start3A_164 : memref<64x128xf32, #tpu.memory_space<vmem>>) target(%dma_start3A_161 : memref<64x128xf32, #tpu.memory_space<vmem_shared>>) target_semaphore(%arg18 : memref<!tpu.dma_semaphore, #tpu.memory_space<semaphore_mem>>)
    %mul3A_165 = arith.constant 632 : i32
    %mul3A_166 = arith.muli %arg1, %mul3A_165 : i32
    %add3A_167 = arith.constant 448 : i32
    %add3A_168 = arith.addi %mul3A_166, %add3A_167 : i32
    %dma_start3A_169 = arith.constant 0 : i32
    %dma_start3A_170 = arith.constant 0 : i32
    %dma_start3A_171 = tpu.memref_slice %arg12[%dma_start3A_169, %dma_start3A_170] : memref<128x128xf32, #tpu.memory_space<vmem>> -> memref<64x128xf32, #tpu.memory_space<vmem>>
    %dma_start3A_172 = arith.constant 0 : i32
    %dma_start3A_173 = tpu.memref_slice %arg6[%add3A_168, %dma_start3A_172] : memref<10112x128xf32, #tpu.memory_space<vmem_shared>> -> memref<64x128xf32, #tpu.memory_space<vmem_shared>>
    %dma_start3A_174 = arith.constant 0 : i32
    %dma_start3A_175 = tpu.memref_slice %arg6[%add3A_168, %dma_start3A_174] : memref<10112x128xf32, #tpu.memory_space<vmem_shared>> -> memref<64x128xf32, #tpu.memory_space<vmem_shared>>
    %dma_start3A_176 = arith.constant 0 : i32
    %dma_start3A_177 = arith.constant 0 : i32
    %dma_start3A_178 = tpu.memref_slice %arg12[%dma_start3A_176, %dma_start3A_177] : memref<128x128xf32, #tpu.memory_space<vmem>> -> memref<64x128xf32, #tpu.memory_space<vmem>>
    tpu.enqueue_dma source(%dma_start3A_178 : memref<64x128xf32, #tpu.memory_space<vmem>>) target(%dma_start3A_175 : memref<64x128xf32, #tpu.memory_space<vmem_shared>>) target_semaphore(%arg18 : memref<!tpu.dma_semaphore, #tpu.memory_space<semaphore_mem>>)
    %mul3A_179 = arith.constant 632 : i32
    %mul3A_180 = arith.muli %arg1, %mul3A_179 : i32
    %add3A_181 = arith.constant 512 : i32
    %add3A_182 = arith.addi %mul3A_180, %add3A_181 : i32
    %dma_start3A_183 = arith.constant 0 : i32
    %dma_start3A_184 = arith.constant 0 : i32
    %dma_start3A_185 = tpu.memref_slice %arg12[%dma_start3A_183, %dma_start3A_184] : memref<128x128xf32, #tpu.memory_space<vmem>> -> memref<64x128xf32, #tpu.memory_space<vmem>>
    %dma_start3A_186 = arith.constant 0 : i32
    %dma_start3A_187 = tpu.memref_slice %arg6[%add3A_182, %dma_start3A_186] : memref<10112x128xf32, #tpu.memory_space<vmem_shared>> -> memref<64x128xf32, #tpu.memory_space<vmem_shared>>
    %dma_start3A_188 = arith.constant 0 : i32
    %dma_start3A_189 = tpu.memref_slice %arg6[%add3A_182, %dma_start3A_188] : memref<10112x128xf32, #tpu.memory_space<vmem_shared>> -> memref<64x128xf32, #tpu.memory_space<vmem_shared>>
    %dma_start3A_190 = arith.constant 0 : i32
    %dma_start3A_191 = arith.constant 0 : i32
    %dma_start3A_192 = tpu.memref_slice %arg12[%dma_start3A_190, %dma_start3A_191] : memref<128x128xf32, #tpu.memory_space<vmem>> -> memref<64x128xf32, #tpu.memory_space<vmem>>
    tpu.enqueue_dma source(%dma_start3A_192 : memref<64x128xf32, #tpu.memory_space<vmem>>) target(%dma_start3A_189 : memref<64x128xf32, #tpu.memory_space<vmem_shared>>) target_semaphore(%arg18 : memref<!tpu.dma_semaphore, #tpu.memory_space<semaphore_mem>>)
    %mul3A_193 = arith.constant 632 : i32
    %mul3A_194 = arith.muli %arg1, %mul3A_193 : i32
    %add3A_195 = arith.constant 632 : i32
    %add3A_196 = arith.addi %mul3A_194, %add3A_195 : i32
    %sub3A = arith.constant 56 : i32
    %sub3A_197 = arith.subi %add3A_196, %sub3A : i32
    %dma_start3A_198 = arith.constant 0 : i32
    %dma_start3A_199 = arith.constant 0 : i32
    %dma_start3A_200 = tpu.memref_slice %arg12[%dma_start3A_198, %dma_start3A_199] : memref<128x128xf32, #tpu.memory_space<vmem>> -> memref<56x128xf32, #tpu.memory_space<vmem>>
    %dma_start3A_201 = arith.constant 0 : i32
    %dma_start3A_202 = tpu.memref_slice %arg6[%sub3A_197, %dma_start3A_201] : memref<10112x128xf32, #tpu.memory_space<vmem_shared>> -> memref<56x128xf32, #tpu.memory_space<vmem_shared>>
    %dma_start3A_203 = arith.constant 0 : i32
    %dma_start3A_204 = tpu.memref_slice %arg6[%sub3A_197, %dma_start3A_203] : memref<10112x128xf32, #tpu.memory_space<vmem_shared>> -> memref<56x128xf32, #tpu.memory_space<vmem_shared>>
    %dma_start3A_205 = arith.constant 0 : i32
    %dma_start3A_206 = arith.constant 0 : i32
    %dma_start3A_207 = tpu.memref_slice %arg12[%dma_start3A_205, %dma_start3A_206] : memref<128x128xf32, #tpu.memory_space<vmem>> -> memref<56x128xf32, #tpu.memory_space<vmem>>
    tpu.enqueue_dma source(%dma_start3A_207 : memref<56x128xf32, #tpu.memory_space<vmem>>) target(%dma_start3A_204 : memref<56x128xf32, #tpu.memory_space<vmem_shared>>) target_semaphore(%arg18 : memref<!tpu.dma_semaphore, #tpu.memory_space<semaphore_mem>>)
    %eq3A = arith.constant 0 : i32
    %eq3A_208 = arith.cmpi eq, %arg1, %eq3A : i32
    %convert_element_type3A = arith.extui %eq3A_208 : i1 to i32
    %cond3A = arith.constant 0 : i32
    %cond3A_209 = arith.cmpi ne, %convert_element_type3A, %cond3A : i32
    scf.if %cond3A_209 {
      "tpu.region"() ({
        %run_scoped3A = tpu.sem_alloc : memref<!tpu.dma_semaphore, #tpu.memory_space<semaphore_mem>>
        tpu.enqueue_dma source(%arg14 : memref<79x128xi32, #tpu.memory_space<vmem>>) target(%arg7 : memref<79x128xi32, #tpu.memory_space<vmem_shared>>) target_semaphore(%run_scoped3A : memref<!tpu.dma_semaphore, #tpu.memory_space<semaphore_mem>>)
        tpu.wait_dma2 semaphore(%run_scoped3A : memref<!tpu.dma_semaphore, #tpu.memory_space<semaphore_mem>>) src(%arg14 : memref<79x128xi32, #tpu.memory_space<vmem>>) dst(%arg7 : memref<79x128xi32, #tpu.memory_space<vmem_shared>>)
        tpu.yield
      }) : () -> ()
    } else {
    }
    %dma_wait3A = arith.constant 0 : i32
    %dma_wait3A_210 = arith.constant 0 : i32
    %dma_wait3A_211 = arith.constant 0 : i32
    %dma_wait3A_212 = tpu.memref_slice %arg3[%dma_wait3A, %dma_wait3A_210, %dma_wait3A_211] : memref<2500x2x128xi32, #tpu.memory_space<hbm>> -> memref<1x2x128xi32, #tpu.memory_space<hbm>>
    %dma_wait3A_213 = tpu.memref_squeeze %dma_wait3A_212 : memref<1x2x128xi32, #tpu.memory_space<hbm>> -> memref<2x128xi32, #tpu.memory_space<hbm>>
    %dma_wait3A_214 = arith.constant 0 : i32
    %dma_wait3A_215 = arith.constant 0 : i32
    %dma_wait3A_216 = tpu.memref_slice %arg3[%dma_wait3A, %dma_wait3A_214, %dma_wait3A_215] : memref<2500x2x128xi32, #tpu.memory_space<hbm>> -> memref<1x2x128xi32, #tpu.memory_space<hbm>>
    %dma_wait3A_217 = tpu.memref_squeeze %dma_wait3A_216 : memref<1x2x128xi32, #tpu.memory_space<hbm>> -> memref<2x128xi32, #tpu.memory_space<hbm>>
    tpu.wait_dma2 semaphore(%arg17 : memref<!tpu.dma_semaphore, #tpu.memory_space<semaphore_mem>>) src(%dma_wait3A_217 : memref<2x128xi32, #tpu.memory_space<hbm>>) dst(%arg9 : memref<2x128xi32, #tpu.memory_space<vmem>>)
    %dma_start3A_218 = arith.constant 0 : i32
    %dma_start3A_219 = arith.constant 0 : i32
    %dma_start3A_220 = tpu.memref_slice %arg9[%dma_start3A_218, %dma_start3A_219] : memref<2x128xi32, #tpu.memory_space<vmem>> -> memref<1x128xi32, #tpu.memory_space<vmem>>
    %dma_start3A_221 = tpu.memref_squeeze %dma_start3A_220 : memref<1x128xi32, #tpu.memory_space<vmem>> -> memref<128xi32, #tpu.memory_space<vmem>>
    %dma_start3A_222 = arith.constant 0 : i32
    %dma_start3A_223 = arith.constant 0 : i32
    %dma_start3A_224 = tpu.memref_slice %arg2[%dma_start3A_222, %dma_start3A_223] : memref<10000x128xf32, #tpu.memory_space<hbm>> -> memref<10000x128xf32, #tpu.memory_space<hbm>>
    tpu.enqueue_indirect_dma source(%dma_start3A_224 : memref<10000x128xf32, #tpu.memory_space<hbm>>) target(%arg13 : memref<128x128xf32, #tpu.memory_space<vmem>>) offsets(%dma_start3A_221 : memref<128xi32, #tpu.memory_space<vmem>>) semaphore(%arg19 : memref<!tpu.dma_semaphore, #tpu.memory_space<semaphore_mem>>)
    %dma_wait3A_225 = arith.constant 0 : i32
    %dma_wait3A_226 = arith.constant 0 : i32
    %dma_wait3A_227 = tpu.memref_slice %arg12[%dma_wait3A_225, %dma_wait3A_226] : memref<128x128xf32, #tpu.memory_space<vmem>> -> memref<64x128xf32, #tpu.memory_space<vmem>>
    %dma_wait3A_228 = arith.constant 0 : i32
    %dma_wait3A_229 = tpu.memref_slice %arg6[%add3A_70, %dma_wait3A_228] : memref<10112x128xf32, #tpu.memory_space<vmem_shared>> -> memref<64x128xf32, #tpu.memory_space<vmem_shared>>
    %dma_wait3A_230 = arith.constant 0 : i32
    %dma_wait3A_231 = tpu.memref_slice %arg6[%add3A_70, %dma_wait3A_230] : memref<10112x128xf32, #tpu.memory_space<vmem_shared>> -> memref<64x128xf32, #tpu.memory_space<vmem_shared>>
    %dma_wait3A_232 = arith.constant 0 : i32
    %dma_wait3A_233 = arith.constant 0 : i32
    %dma_wait3A_234 = tpu.memref_slice %arg12[%dma_wait3A_232, %dma_wait3A_233] : memref<128x128xf32, #tpu.memory_space<vmem>> -> memref<64x128xf32, #tpu.memory_space<vmem>>
    tpu.wait_dma2 semaphore(%arg18 : memref<!tpu.dma_semaphore, #tpu.memory_space<semaphore_mem>>) src(%dma_wait3A_234 : memref<64x128xf32, #tpu.memory_space<vmem>>) dst(%dma_wait3A_231 : memref<64x128xf32, #tpu.memory_space<vmem_shared>>)
    %dma_wait3A_235 = arith.constant 0 : i32
    %dma_wait3A_236 = arith.constant 0 : i32
    %dma_wait3A_237 = tpu.memref_slice %arg12[%dma_wait3A_235, %dma_wait3A_236] : memref<128x128xf32, #tpu.memory_space<vmem>> -> memref<64x128xf32, #tpu.memory_space<vmem>>
    %dma_wait3A_238 = arith.constant 0 : i32
    %dma_wait3A_239 = tpu.memref_slice %arg6[%add3A_84, %dma_wait3A_238] : memref<10112x128xf32, #tpu.memory_space<vmem_shared>> -> memref<64x128xf32, #tpu.memory_space<vmem_shared>>
    %dma_wait3A_240 = arith.constant 0 : i32
    %dma_wait3A_241 = tpu.memref_slice %arg6[%add3A_84, %dma_wait3A_240] : memref<10112x128xf32, #tpu.memory_space<vmem_shared>> -> memref<64x128xf32, #tpu.memory_space<vmem_shared>>
    %dma_wait3A_242 = arith.constant 0 : i32
    %dma_wait3A_243 = arith.constant 0 : i32
    %dma_wait3A_244 = tpu.memref_slice %arg12[%dma_wait3A_242, %dma_wait3A_243] : memref<128x128xf32, #tpu.memory_space<vmem>> -> memref<64x128xf32, #tpu.memory_space<vmem>>
    tpu.wait_dma2 semaphore(%arg18 : memref<!tpu.dma_semaphore, #tpu.memory_space<semaphore_mem>>) src(%dma_wait3A_244 : memref<64x128xf32, #tpu.memory_space<vmem>>) dst(%dma_wait3A_241 : memref<64x128xf32, #tpu.memory_space<vmem_shared>>)
    %dma_wait3A_245 = arith.constant 0 : i32
    %dma_wait3A_246 = arith.constant 0 : i32
    %dma_wait3A_247 = tpu.memref_slice %arg12[%dma_wait3A_245, %dma_wait3A_246] : memref<128x128xf32, #tpu.memory_space<vmem>> -> memref<64x128xf32, #tpu.memory_space<vmem>>
    %dma_wait3A_248 = arith.constant 0 : i32
    %dma_wait3A_249 = tpu.memref_slice %arg6[%add3A_98, %dma_wait3A_248] : memref<10112x128xf32, #tpu.memory_space<vmem_shared>> -> memref<64x128xf32, #tpu.memory_space<vmem_shared>>
    %dma_wait3A_250 = arith.constant 0 : i32
    %dma_wait3A_251 = tpu.memref_slice %arg6[%add3A_98, %dma_wait3A_250] : memref<10112x128xf32, #tpu.memory_space<vmem_shared>> -> memref<64x128xf32, #tpu.memory_space<vmem_shared>>
    %dma_wait3A_252 = arith.constant 0 : i32
    %dma_wait3A_253 = arith.constant 0 : i32
    %dma_wait3A_254 = tpu.memref_slice %arg12[%dma_wait3A_252, %dma_wait3A_253] : memref<128x128xf32, #tpu.memory_space<vmem>> -> memref<64x128xf32, #tpu.memory_space<vmem>>
    tpu.wait_dma2 semaphore(%arg18 : memref<!tpu.dma_semaphore, #tpu.memory_space<semaphore_mem>>) src(%dma_wait3A_254 : memref<64x128xf32, #tpu.memory_space<vmem>>) dst(%dma_wait3A_251 : memref<64x128xf32, #tpu.memory_space<vmem_shared>>)
    %dma_wait3A_255 = arith.constant 0 : i32
    %dma_wait3A_256 = arith.constant 0 : i32
    %dma_wait3A_257 = tpu.memref_slice %arg12[%dma_wait3A_255, %dma_wait3A_256] : memref<128x128xf32, #tpu.memory_space<vmem>> -> memref<64x128xf32, #tpu.memory_space<vmem>>
    %dma_wait3A_258 = arith.constant 0 : i32
    %dma_wait3A_259 = tpu.memref_slice %arg6[%add3A_112, %dma_wait3A_258] : memref<10112x128xf32, #tpu.memory_space<vmem_shared>> -> memref<64x128xf32, #tpu.memory_space<vmem_shared>>
    %dma_wait3A_260 = arith.constant 0 : i32
    %dma_wait3A_261 = tpu.memref_slice %arg6[%add3A_112, %dma_wait3A_260] : memref<10112x128xf32, #tpu.memory_space<vmem_shared>> -> memref<64x128xf32, #tpu.memory_space<vmem_shared>>
    %dma_wait3A_262 = arith.constant 0 : i32
    %dma_wait3A_263 = arith.constant 0 : i32
    %dma_wait3A_264 = tpu.memref_slice %arg12[%dma_wait3A_262, %dma_wait3A_263] : memref<128x128xf32, #tpu.memory_space<vmem>> -> memref<64x128xf32, #tpu.memory_space<vmem>>
    tpu.wait_dma2 semaphore(%arg18 : memref<!tpu.dma_semaphore, #tpu.memory_space<semaphore_mem>>) src(%dma_wait3A_264 : memref<64x128xf32, #tpu.memory_space<vmem>>) dst(%dma_wait3A_261 : memref<64x128xf32, #tpu.memory_space<vmem_shared>>)
    %dma_wait3A_265 = arith.constant 0 : i32
    %dma_wait3A_266 = arith.constant 0 : i32
    %dma_wait3A_267 = tpu.memref_slice %arg12[%dma_wait3A_265, %dma_wait3A_266] : memref<128x128xf32, #tpu.memory_space<vmem>> -> memref<64x128xf32, #tpu.memory_space<vmem>>
    %dma_wait3A_268 = arith.constant 0 : i32
    %dma_wait3A_269 = tpu.memref_slice %arg6[%add3A_126, %dma_wait3A_268] : memref<10112x128xf32, #tpu.memory_space<vmem_shared>> -> memref<64x128xf32, #tpu.memory_space<vmem_shared>>
    %dma_wait3A_270 = arith.constant 0 : i32
    %dma_wait3A_271 = tpu.memref_slice %arg6[%add3A_126, %dma_wait3A_270] : memref<10112x128xf32, #tpu.memory_space<vmem_shared>> -> memref<64x128xf32, #tpu.memory_space<vmem_shared>>
    %dma_wait3A_272 = arith.constant 0 : i32
    %dma_wait3A_273 = arith.constant 0 : i32
    %dma_wait3A_274 = tpu.memref_slice %arg12[%dma_wait3A_272, %dma_wait3A_273] : memref<128x128xf32, #tpu.memory_space<vmem>> -> memref<64x128xf32, #tpu.memory_space<vmem>>
    tpu.wait_dma2 semaphore(%arg18 : memref<!tpu.dma_semaphore, #tpu.memory_space<semaphore_mem>>) src(%dma_wait3A_274 : memref<64x128xf32, #tpu.memory_space<vmem>>) dst(%dma_wait3A_271 : memref<64x128xf32, #tpu.memory_space<vmem_shared>>)
    %dma_wait3A_275 = arith.constant 0 : i32
    %dma_wait3A_276 = arith.constant 0 : i32
    %dma_wait3A_277 = tpu.memref_slice %arg12[%dma_wait3A_275, %dma_wait3A_276] : memref<128x128xf32, #tpu.memory_space<vmem>> -> memref<64x128xf32, #tpu.memory_space<vmem>>
    %dma_wait3A_278 = arith.constant 0 : i32
    %dma_wait3A_279 = tpu.memref_slice %arg6[%add3A_140, %dma_wait3A_278] : memref<10112x128xf32, #tpu.memory_space<vmem_shared>> -> memref<64x128xf32, #tpu.memory_space<vmem_shared>>
    %dma_wait3A_280 = arith.constant 0 : i32
    %dma_wait3A_281 = tpu.memref_slice %arg6[%add3A_140, %dma_wait3A_280] : memref<10112x128xf32, #tpu.memory_space<vmem_shared>> -> memref<64x128xf32, #tpu.memory_space<vmem_shared>>
    %dma_wait3A_282 = arith.constant 0 : i32
    %dma_wait3A_283 = arith.constant 0 : i32
    %dma_wait3A_284 = tpu.memref_slice %arg12[%dma_wait3A_282, %dma_wait3A_283] : memref<128x128xf32, #tpu.memory_space<vmem>> -> memref<64x128xf32, #tpu.memory_space<vmem>>
    tpu.wait_dma2 semaphore(%arg18 : memref<!tpu.dma_semaphore, #tpu.memory_space<semaphore_mem>>) src(%dma_wait3A_284 : memref<64x128xf32, #tpu.memory_space<vmem>>) dst(%dma_wait3A_281 : memref<64x128xf32, #tpu.memory_space<vmem_shared>>)
    %dma_wait3A_285 = arith.constant 0 : i32
    %dma_wait3A_286 = arith.constant 0 : i32
    %dma_wait3A_287 = tpu.memref_slice %arg12[%dma_wait3A_285, %dma_wait3A_286] : memref<128x128xf32, #tpu.memory_space<vmem>> -> memref<64x128xf32, #tpu.memory_space<vmem>>
    %dma_wait3A_288 = arith.constant 0 : i32
    %dma_wait3A_289 = tpu.memref_slice %arg6[%add3A_154, %dma_wait3A_288] : memref<10112x128xf32, #tpu.memory_space<vmem_shared>> -> memref<64x128xf32, #tpu.memory_space<vmem_shared>>
    %dma_wait3A_290 = arith.constant 0 : i32
    %dma_wait3A_291 = tpu.memref_slice %arg6[%add3A_154, %dma_wait3A_290] : memref<10112x128xf32, #tpu.memory_space<vmem_shared>> -> memref<64x128xf32, #tpu.memory_space<vmem_shared>>
    %dma_wait3A_292 = arith.constant 0 : i32
    %dma_wait3A_293 = arith.constant 0 : i32
    %dma_wait3A_294 = tpu.memref_slice %arg12[%dma_wait3A_292, %dma_wait3A_293] : memref<128x128xf32, #tpu.memory_space<vmem>> -> memref<64x128xf32, #tpu.memory_space<vmem>>
    tpu.wait_dma2 semaphore(%arg18 : memref<!tpu.dma_semaphore, #tpu.memory_space<semaphore_mem>>) src(%dma_wait3A_294 : memref<64x128xf32, #tpu.memory_space<vmem>>) dst(%dma_wait3A_291 : memref<64x128xf32, #tpu.memory_space<vmem_shared>>)
    %dma_wait3A_295 = arith.constant 0 : i32
    %dma_wait3A_296 = arith.constant 0 : i32
    %dma_wait3A_297 = tpu.memref_slice %arg12[%dma_wait3A_295, %dma_wait3A_296] : memref<128x128xf32, #tpu.memory_space<vmem>> -> memref<64x128xf32, #tpu.memory_space<vmem>>
    %dma_wait3A_298 = arith.constant 0 : i32
    %dma_wait3A_299 = tpu.memref_slice %arg6[%add3A_168, %dma_wait3A_298] : memref<10112x128xf32, #tpu.memory_space<vmem_shared>> -> memref<64x128xf32, #tpu.memory_space<vmem_shared>>
    %dma_wait3A_300 = arith.constant 0 : i32
    %dma_wait3A_301 = tpu.memref_slice %arg6[%add3A_168, %dma_wait3A_300] : memref<10112x128xf32, #tpu.memory_space<vmem_shared>> -> memref<64x128xf32, #tpu.memory_space<vmem_shared>>
    %dma_wait3A_302 = arith.constant 0 : i32
    %dma_wait3A_303 = arith.constant 0 : i32
    %dma_wait3A_304 = tpu.memref_slice %arg12[%dma_wait3A_302, %dma_wait3A_303] : memref<128x128xf32, #tpu.memory_space<vmem>> -> memref<64x128xf32, #tpu.memory_space<vmem>>
    tpu.wait_dma2 semaphore(%arg18 : memref<!tpu.dma_semaphore, #tpu.memory_space<semaphore_mem>>) src(%dma_wait3A_304 : memref<64x128xf32, #tpu.memory_space<vmem>>) dst(%dma_wait3A_301 : memref<64x128xf32, #tpu.memory_space<vmem_shared>>)
    %dma_wait3A_305 = arith.constant 0 : i32
    %dma_wait3A_306 = arith.constant 0 : i32
    %dma_wait3A_307 = tpu.memref_slice %arg12[%dma_wait3A_305, %dma_wait3A_306] : memref<128x128xf32, #tpu.memory_space<vmem>> -> memref<64x128xf32, #tpu.memory_space<vmem>>
    %dma_wait3A_308 = arith.constant 0 : i32
    %dma_wait3A_309 = tpu.memref_slice %arg6[%add3A_182, %dma_wait3A_308] : memref<10112x128xf32, #tpu.memory_space<vmem_shared>> -> memref<64x128xf32, #tpu.memory_space<vmem_shared>>
    %dma_wait3A_310 = arith.constant 0 : i32
    %dma_wait3A_311 = tpu.memref_slice %arg6[%add3A_182, %dma_wait3A_310] : memref<10112x128xf32, #tpu.memory_space<vmem_shared>> -> memref<64x128xf32, #tpu.memory_space<vmem_shared>>
    %dma_wait3A_312 = arith.constant 0 : i32
    %dma_wait3A_313 = arith.constant 0 : i32
    %dma_wait3A_314 = tpu.memref_slice %arg12[%dma_wait3A_312, %dma_wait3A_313] : memref<128x128xf32, #tpu.memory_space<vmem>> -> memref<64x128xf32, #tpu.memory_space<vmem>>
    tpu.wait_dma2 semaphore(%arg18 : memref<!tpu.dma_semaphore, #tpu.memory_space<semaphore_mem>>) src(%dma_wait3A_314 : memref<64x128xf32, #tpu.memory_space<vmem>>) dst(%dma_wait3A_311 : memref<64x128xf32, #tpu.memory_space<vmem_shared>>)
    %dma_wait3A_315 = arith.constant 0 : i32
    %dma_wait3A_316 = arith.constant 0 : i32
    %dma_wait3A_317 = tpu.memref_slice %arg12[%dma_wait3A_315, %dma_wait3A_316] : memref<128x128xf32, #tpu.memory_space<vmem>> -> memref<56x128xf32, #tpu.memory_space<vmem>>
    %dma_wait3A_318 = arith.constant 0 : i32
    %dma_wait3A_319 = tpu.memref_slice %arg6[%sub3A_197, %dma_wait3A_318] : memref<10112x128xf32, #tpu.memory_space<vmem_shared>> -> memref<56x128xf32, #tpu.memory_space<vmem_shared>>
    %dma_wait3A_320 = arith.constant 0 : i32
    %dma_wait3A_321 = tpu.memref_slice %arg6[%sub3A_197, %dma_wait3A_320] : memref<10112x128xf32, #tpu.memory_space<vmem_shared>> -> memref<56x128xf32, #tpu.memory_space<vmem_shared>>
    %dma_wait3A_322 = arith.constant 0 : i32
    %dma_wait3A_323 = arith.constant 0 : i32
    %dma_wait3A_324 = tpu.memref_slice %arg12[%dma_wait3A_322, %dma_wait3A_323] : memref<128x128xf32, #tpu.memory_space<vmem>> -> memref<56x128xf32, #tpu.memory_space<vmem>>
    tpu.wait_dma2 semaphore(%arg18 : memref<!tpu.dma_semaphore, #tpu.memory_space<semaphore_mem>>) src(%dma_wait3A_324 : memref<56x128xf32, #tpu.memory_space<vmem>>) dst(%dma_wait3A_321 : memref<56x128xf32, #tpu.memory_space<vmem_shared>>)
    %dma_wait3A_325 = arith.constant 0 : i32
    %dma_wait3A_326 = arith.constant 0 : i32
    %dma_wait3A_327 = arith.constant 0 : i32
    %dma_wait3A_328 = tpu.memref_slice %arg3[%dma_wait3A_325, %dma_wait3A_326, %dma_wait3A_327] : memref<2500x2x128xi32, #tpu.memory_space<hbm>> -> memref<1x2x128xi32, #tpu.memory_space<hbm>>
    %dma_wait3A_329 = tpu.memref_squeeze %dma_wait3A_328 : memref<1x2x128xi32, #tpu.memory_space<hbm>> -> memref<2x128xi32, #tpu.memory_space<hbm>>
    %dma_wait3A_330 = arith.constant 0 : i32
    %dma_wait3A_331 = arith.constant 0 : i32
    %dma_wait3A_332 = tpu.memref_slice %arg3[%dma_wait3A_325, %dma_wait3A_330, %dma_wait3A_331] : memref<2500x2x128xi32, #tpu.memory_space<hbm>> -> memref<1x2x128xi32, #tpu.memory_space<hbm>>
    %dma_wait3A_333 = tpu.memref_squeeze %dma_wait3A_332 : memref<1x2x128xi32, #tpu.memory_space<hbm>> -> memref<2x128xi32, #tpu.memory_space<hbm>>
    tpu.wait_dma2 semaphore(%arg16 : memref<!tpu.dma_semaphore, #tpu.memory_space<semaphore_mem>>) src(%dma_wait3A_333 : memref<2x128xi32, #tpu.memory_space<hbm>>) dst(%arg8 : memref<2x128xi32, #tpu.memory_space<vmem>>)
    %dma_start3A_334 = arith.constant 0 : i32
    %dma_start3A_335 = arith.constant 0 : i32
    %dma_start3A_336 = tpu.memref_slice %arg8[%dma_start3A_334, %dma_start3A_335] : memref<2x128xi32, #tpu.memory_space<vmem>> -> memref<1x128xi32, #tpu.memory_space<vmem>>
    %dma_start3A_337 = tpu.memref_squeeze %dma_start3A_336 : memref<1x128xi32, #tpu.memory_space<vmem>> -> memref<128xi32, #tpu.memory_space<vmem>>
    %dma_start3A_338 = arith.constant 0 : i32
    %dma_start3A_339 = arith.constant 0 : i32
    %dma_start3A_340 = tpu.memref_slice %arg2[%dma_start3A_338, %dma_start3A_339] : memref<10000x128xf32, #tpu.memory_space<hbm>> -> memref<10000x128xf32, #tpu.memory_space<hbm>>
    tpu.enqueue_indirect_dma source(%dma_start3A_340 : memref<10000x128xf32, #tpu.memory_space<hbm>>) target(%arg12 : memref<128x128xf32, #tpu.memory_space<vmem>>) offsets(%dma_start3A_337 : memref<128xi32, #tpu.memory_space<vmem>>) semaphore(%arg18 : memref<!tpu.dma_semaphore, #tpu.memory_space<semaphore_mem>>)
    %barrier3A = arith.constant 0 : index
    tpu.barrier barrier_id(%barrier3A)
    %dma_wait3A_341 = arith.constant 0 : i32
    %dma_wait3A_342 = arith.constant 0 : i32
    %dma_wait3A_343 = tpu.memref_slice %arg8[%dma_wait3A_341, %dma_wait3A_342] : memref<2x128xi32, #tpu.memory_space<vmem>> -> memref<1x128xi32, #tpu.memory_space<vmem>>
    %dma_wait3A_344 = tpu.memref_squeeze %dma_wait3A_343 : memref<1x128xi32, #tpu.memory_space<vmem>> -> memref<128xi32, #tpu.memory_space<vmem>>
    %dma_wait3A_345 = arith.constant 0 : i32
    %dma_wait3A_346 = arith.constant 0 : i32
    %dma_wait3A_347 = tpu.memref_slice %arg2[%dma_wait3A_345, %dma_wait3A_346] : memref<10000x128xf32, #tpu.memory_space<hbm>> -> memref<10000x128xf32, #tpu.memory_space<hbm>>
    tpu.wait_indirect_dma semaphore(%arg18 : memref<!tpu.dma_semaphore, #tpu.memory_space<semaphore_mem>>) src(%dma_wait3A_347 : memref<10000x128xf32, #tpu.memory_space<hbm>>) dst(%arg12 : memref<128x128xf32, #tpu.memory_space<vmem>>)
    %get3A = arith.constant 1 : i32
    %get3A_348 = arith.index_cast %get3A : i32 to index
    %get3A_349 = arith.constant 0 : index
    %get3A_350 = tpu.vector_load %arg8[%get3A_348, %get3A_349] {strides = array<i32>} : memref<2x128xi32, #tpu.memory_space<vmem>>, vector<16xi32>,
    %swap3A_351 = arith.constant 0 : index
    %swap3A_352 = tpu.vector_load %arg10[%swap3A_351] {strides = array<i32>} : memref<128xi32, #tpu.memory_space<vmem>>, vector<16xi32>,
    tpu.vector_store %arg10[%swap3A_351], %get3A_350 {strides = array<i32>} : memref<128xi32, #tpu.memory_space<vmem>>, vector<16xi32>,
    %get3A_353 = arith.constant 1 : i32
    %get3A_354 = arith.index_cast %get3A_353 : i32 to index
    %get3A_355 = arith.constant 16 : index
    %get3A_356 = tpu.vector_load %arg8[%get3A_354, %get3A_355] {strides = array<i32>} : memref<2x128xi32, #tpu.memory_space<vmem>>, vector<16xi32>,
    %swap3A_357 = arith.constant 16 : index
    %swap3A_358 = tpu.vector_load %arg10[%swap3A_357] {strides = array<i32>} : memref<128xi32, #tpu.memory_space<vmem>>, vector<16xi32>,
    tpu.vector_store %arg10[%swap3A_357], %get3A_356 {strides = array<i32>} : memref<128xi32, #tpu.memory_space<vmem>>, vector<16xi32>,
    %get3A_359 = arith.constant 1 : i32
    %get3A_360 = arith.index_cast %get3A_359 : i32 to index
    %get3A_361 = arith.constant 32 : index
    %get3A_362 = tpu.vector_load %arg8[%get3A_360, %get3A_361] {strides = array<i32>} : memref<2x128xi32, #tpu.memory_space<vmem>>, vector<16xi32>,
    %swap3A_363 = arith.constant 32 : index
    %swap3A_364 = tpu.vector_load %arg10[%swap3A_363] {strides = array<i32>} : memref<128xi32, #tpu.memory_space<vmem>>, vector<16xi32>,
    tpu.vector_store %arg10[%swap3A_363], %get3A_362 {strides = array<i32>} : memref<128xi32, #tpu.memory_space<vmem>>, vector<16xi32>,
    %get3A_365 = arith.constant 1 : i32
    %get3A_366 = arith.index_cast %get3A_365 : i32 to index
    %get3A_367 = arith.constant 48 : index
    %get3A_368 = tpu.vector_load %arg8[%get3A_366, %get3A_367] {strides = array<i32>} : memref<2x128xi32, #tpu.memory_space<vmem>>, vector<16xi32>,
    %swap3A_369 = arith.constant 48 : index
    %swap3A_370 = tpu.vector_load %arg10[%swap3A_369] {strides = array<i32>} : memref<128xi32, #tpu.memory_space<vmem>>, vector<16xi32>,
    tpu.vector_store %arg10[%swap3A_369], %get3A_368 {strides = array<i32>} : memref<128xi32, #tpu.memory_space<vmem>>, vector<16xi32>,
    %get3A_371 = arith.constant 1 : i32
    %get3A_372 = arith.index_cast %get3A_371 : i32 to index
    %get3A_373 = arith.constant 64 : index
    %get3A_374 = tpu.vector_load %arg8[%get3A_372, %get3A_373] {strides = array<i32>} : memref<2x128xi32, #tpu.memory_space<vmem>>, vector<16xi32>,
    %swap3A_375 = arith.constant 64 : index
    %swap3A_376 = tpu.vector_load %arg10[%swap3A_375] {strides = array<i32>} : memref<128xi32, #tpu.memory_space<vmem>>, vector<16xi32>,
    tpu.vector_store %arg10[%swap3A_375], %get3A_374 {strides = array<i32>} : memref<128xi32, #tpu.memory_space<vmem>>, vector<16xi32>,
    %get3A_377 = arith.constant 1 : i32
    %get3A_378 = arith.index_cast %get3A_377 : i32 to index
    %get3A_379 = arith.constant 80 : index
    %get3A_380 = tpu.vector_load %arg8[%get3A_378, %get3A_379] {strides = array<i32>} : memref<2x128xi32, #tpu.memory_space<vmem>>, vector<16xi32>,
    %swap3A_381 = arith.constant 80 : index
    %swap3A_382 = tpu.vector_load %arg10[%swap3A_381] {strides = array<i32>} : memref<128xi32, #tpu.memory_space<vmem>>, vector<16xi32>,
    tpu.vector_store %arg10[%swap3A_381], %get3A_380 {strides = array<i32>} : memref<128xi32, #tpu.memory_space<vmem>>, vector<16xi32>,
    %get3A_383 = arith.constant 1 : i32
    %get3A_384 = arith.index_cast %get3A_383 : i32 to index
    %get3A_385 = arith.constant 96 : index
    %get3A_386 = tpu.vector_load %arg8[%get3A_384, %get3A_385] {strides = array<i32>} : memref<2x128xi32, #tpu.memory_space<vmem>>, vector<16xi32>,
    %swap3A_387 = arith.constant 96 : index
    %swap3A_388 = tpu.vector_load %arg10[%swap3A_387] {strides = array<i32>} : memref<128xi32, #tpu.memory_space<vmem>>, vector<16xi32>,
    tpu.vector_store %arg10[%swap3A_387], %get3A_386 {strides = array<i32>} : memref<128xi32, #tpu.memory_space<vmem>>, vector<16xi32>,
    %get3A_389 = arith.constant 1 : i32
    %get3A_390 = arith.index_cast %get3A_389 : i32 to index
    %get3A_391 = arith.constant 112 : index
    %get3A_392 = tpu.vector_load %arg8[%get3A_390, %get3A_391] {strides = array<i32>} : memref<2x128xi32, #tpu.memory_space<vmem>>, vector<16xi32>,
    %swap3A_393 = arith.constant 112 : index
    %swap3A_394 = tpu.vector_load %arg10[%swap3A_393] {strides = array<i32>} : memref<128xi32, #tpu.memory_space<vmem>>, vector<16xi32>,
    tpu.vector_store %arg10[%swap3A_393], %get3A_392 {strides = array<i32>} : memref<128xi32, #tpu.memory_space<vmem>>, vector<16xi32>,
    %dma_start3A_395 = arith.constant 0 : i32
    %dma_start3A_396 = arith.constant 0 : i32
    %dma_start3A_397 = tpu.memref_slice %arg6[%dma_start3A_395, %dma_start3A_396] : memref<10112x128xf32, #tpu.memory_space<vmem_shared>> -> memref<10112x128xf32, #tpu.memory_space<vmem_shared>>
    tpu.enqueue_indirect_dma source(%arg12 : memref<128x128xf32, #tpu.memory_space<vmem>>) target(%dma_start3A_397 : memref<10112x128xf32, #tpu.memory_space<vmem_shared>>) offsets(%arg10 : memref<128xi32, #tpu.memory_space<vmem>>) semaphore(%arg20 : memref<!tpu.dma_semaphore, #tpu.memory_space<semaphore_mem>>) {add = true}
    %min3A_398 = arith.constant 2 : i32
    %min3A_399 = arith.constant 77 : i32
    %min3A_400 = arith.minsi %min3A_398, %min3A_399 : i32
    %mul3A_401 = arith.constant 32 : i32
    %mul3A_402 = arith.muli %min3A_400, %mul3A_401 : i32
    %add3A_403 = arith.addi %mul3A_402, %add3A : i32
    %dma_start3A_404 = arith.constant 0 : i32
    %dma_start3A_405 = arith.constant 0 : i32
    %dma_start3A_406 = tpu.memref_slice %arg3[%add3A_403, %dma_start3A_404, %dma_start3A_405] : memref<2500x2x128xi32, #tpu.memory_space<hbm>> -> memref<1x2x128xi32, #tpu.memory_space<hbm>>
    %dma_start3A_407 = tpu.memref_squeeze %dma_start3A_406 : memref<1x2x128xi32, #tpu.memory_space<hbm>> -> memref<2x128xi32, #tpu.memory_space<hbm>>
    %dma_start3A_408 = arith.constant 0 : i32
    %dma_start3A_409 = arith.constant 0 : i32
    %dma_start3A_410 = tpu.memref_slice %arg3[%add3A_403, %dma_start3A_408, %dma_start3A_409] : memref<2500x2x128xi32, #tpu.memory_space<hbm>> -> memref<1x2x128xi32, #tpu.memory_space<hbm>>
    %dma_start3A_411 = tpu.memref_squeeze %dma_start3A_410 : memref<1x2x128xi32, #tpu.memory_space<hbm>> -> memref<2x128xi32, #tpu.memory_space<hbm>>
    tpu.enqueue_dma source(%dma_start3A_411 : memref<2x128xi32, #tpu.memory_space<hbm>>) target(%arg8 : memref<2x128xi32, #tpu.memory_space<vmem>>) target_semaphore(%arg16 : memref<!tpu.dma_semaphore, #tpu.memory_space<semaphore_mem>>)
    %get3A_412 = arith.constant 0 : index
    %get3A_413 = tpu.vector_load %arg10[%get3A_412] {strides = array<i32>} : memref<128xi32, #tpu.memory_space<vmem>>, vector<16xi32>,
    %shift_right_logical3A = arith.constant 7 : i32
    %shift_right_logical3A_414 = vector.broadcast %shift_right_logical3A : i32 to vector<16xi32>
    %shift_right_logical3A_415 = arith.shrui %get3A_413, %shift_right_logical3A_414 : vector<16xi32>
    %and3A = arith.constant 127 : i32
    %and3A_416 = vector.broadcast %and3A : i32 to vector<16xi32>
    %and3A_417 = arith.andi %get3A_413, %and3A_416 : vector<16xi32>
    tpu.vector_store_idx %arg14[%shift_right_logical3A_415, %and3A_417], %broadcast_in_dim3A_1 {add = true} : memref<79x128xi32, #tpu.memory_space<vmem>>[vector<16xi32>, vector<16xi32>], vector<16xi32>,
    %get3A_418 = arith.constant 16 : index
    %get3A_419 = tpu.vector_load %arg10[%get3A_418] {strides = array<i32>} : memref<128xi32, #tpu.memory_space<vmem>>, vector<16xi32>,
    %shift_right_logical3A_420 = arith.constant 7 : i32
    %shift_right_logical3A_421 = vector.broadcast %shift_right_logical3A_420 : i32 to vector<16xi32>
    %shift_right_logical3A_422 = arith.shrui %get3A_419, %shift_right_logical3A_421 : vector<16xi32>
    %and3A_423 = arith.constant 127 : i32
    %and3A_424 = vector.broadcast %and3A_423 : i32 to vector<16xi32>
    %and3A_425 = arith.andi %get3A_419, %and3A_424 : vector<16xi32>
    tpu.vector_store_idx %arg14[%shift_right_logical3A_422, %and3A_425], %broadcast_in_dim3A_1 {add = true} : memref<79x128xi32, #tpu.memory_space<vmem>>[vector<16xi32>, vector<16xi32>], vector<16xi32>,
    %get3A_426 = arith.constant 32 : index
    %get3A_427 = tpu.vector_load %arg10[%get3A_426] {strides = array<i32>} : memref<128xi32, #tpu.memory_space<vmem>>, vector<16xi32>,
    %shift_right_logical3A_428 = arith.constant 7 : i32
    %shift_right_logical3A_429 = vector.broadcast %shift_right_logical3A_428 : i32 to vector<16xi32>
    %shift_right_logical3A_430 = arith.shrui %get3A_427, %shift_right_logical3A_429 : vector<16xi32>
    %and3A_431 = arith.constant 127 : i32
    %and3A_432 = vector.broadcast %and3A_431 : i32 to vector<16xi32>
    %and3A_433 = arith.andi %get3A_427, %and3A_432 : vector<16xi32>
    tpu.vector_store_idx %arg14[%shift_right_logical3A_430, %and3A_433], %broadcast_in_dim3A_1 {add = true} : memref<79x128xi32, #tpu.memory_space<vmem>>[vector<16xi32>, vector<16xi32>], vector<16xi32>,
    %get3A_434 = arith.constant 48 : index
    %get3A_435 = tpu.vector_load %arg10[%get3A_434] {strides = array<i32>} : memref<128xi32, #tpu.memory_space<vmem>>, vector<16xi32>,
    %shift_right_logical3A_436 = arith.constant 7 : i32
    %shift_right_logical3A_437 = vector.broadcast %shift_right_logical3A_436 : i32 to vector<16xi32>
    %shift_right_logical3A_438 = arith.shrui %get3A_435, %shift_right_logical3A_437 : vector<16xi32>
    %and3A_439 = arith.constant 127 : i32
    %and3A_440 = vector.broadcast %and3A_439 : i32 to vector<16xi32>
    %and3A_441 = arith.andi %get3A_435, %and3A_440 : vector<16xi32>
    tpu.vector_store_idx %arg14[%shift_right_logical3A_438, %and3A_441], %broadcast_in_dim3A_1 {add = true} : memref<79x128xi32, #tpu.memory_space<vmem>>[vector<16xi32>, vector<16xi32>], vector<16xi32>,
    %get3A_442 = arith.constant 64 : index
    %get3A_443 = tpu.vector_load %arg10[%get3A_442] {strides = array<i32>} : memref<128xi32, #tpu.memory_space<vmem>>, vector<16xi32>,
    %shift_right_logical3A_444 = arith.constant 7 : i32
    %shift_right_logical3A_445 = vector.broadcast %shift_right_logical3A_444 : i32 to vector<16xi32>
    %shift_right_logical3A_446 = arith.shrui %get3A_443, %shift_right_logical3A_445 : vector<16xi32>
    %and3A_447 = arith.constant 127 : i32
    %and3A_448 = vector.broadcast %and3A_447 : i32 to vector<16xi32>
    %and3A_449 = arith.andi %get3A_443, %and3A_448 : vector<16xi32>
    tpu.vector_store_idx %arg14[%shift_right_logical3A_446, %and3A_449], %broadcast_in_dim3A_1 {add = true} : memref<79x128xi32, #tpu.memory_space<vmem>>[vector<16xi32>, vector<16xi32>], vector<16xi32>,
    %get3A_450 = arith.constant 80 : index
    %get3A_451 = tpu.vector_load %arg10[%get3A_450] {strides = array<i32>} : memref<128xi32, #tpu.memory_space<vmem>>, vector<16xi32>,
    %shift_right_logical3A_452 = arith.constant 7 : i32
    %shift_right_logical3A_453 = vector.broadcast %shift_right_logical3A_452 : i32 to vector<16xi32>
    %shift_right_logical3A_454 = arith.shrui %get3A_451, %shift_right_logical3A_453 : vector<16xi32>
    %and3A_455 = arith.constant 127 : i32
    %and3A_456 = vector.broadcast %and3A_455 : i32 to vector<16xi32>
    %and3A_457 = arith.andi %get3A_451, %and3A_456 : vector<16xi32>
    tpu.vector_store_idx %arg14[%shift_right_logical3A_454, %and3A_457], %broadcast_in_dim3A_1 {add = true} : memref<79x128xi32, #tpu.memory_space<vmem>>[vector<16xi32>, vector<16xi32>], vector<16xi32>,
    %get3A_458 = arith.constant 96 : index
    %get3A_459 = tpu.vector_load %arg10[%get3A_458] {strides = array<i32>} : memref<128xi32, #tpu.memory_space<vmem>>, vector<16xi32>,
    %shift_right_logical3A_460 = arith.constant 7 : i32
    %shift_right_logical3A_461 = vector.broadcast %shift_right_logical3A_460 : i32 to vector<16xi32>
    %shift_right_logical3A_462 = arith.shrui %get3A_459, %shift_right_logical3A_461 : vector<16xi32>
    %and3A_463 = arith.constant 127 : i32
    %and3A_464 = vector.broadcast %and3A_463 : i32 to vector<16xi32>
    %and3A_465 = arith.andi %get3A_459, %and3A_464 : vector<16xi32>
    tpu.vector_store_idx %arg14[%shift_right_logical3A_462, %and3A_465], %broadcast_in_dim3A_1 {add = true} : memref<79x128xi32, #tpu.memory_space<vmem>>[vector<16xi32>, vector<16xi32>], vector<16xi32>,
    %get3A_466 = arith.constant 112 : index
    %get3A_467 = tpu.vector_load %arg10[%get3A_466] {strides = array<i32>} : memref<128xi32, #tpu.memory_space<vmem>>, vector<16xi32>,
    %shift_right_logical3A_468 = arith.constant 7 : i32
    %shift_right_logical3A_469 = vector.broadcast %shift_right_logical3A_468 : i32 to vector<16xi32>
    %shift_right_logical3A_470 = arith.shrui %get3A_467, %shift_right_logical3A_469 : vector<16xi32>
    %and3A_471 = arith.constant 127 : i32
    %and3A_472 = vector.broadcast %and3A_471 : i32 to vector<16xi32>
    %and3A_473 = arith.andi %get3A_467, %and3A_472 : vector<16xi32>
    tpu.vector_store_idx %arg14[%shift_right_logical3A_470, %and3A_473], %broadcast_in_dim3A_1 {add = true} : memref<79x128xi32, #tpu.memory_space<vmem>>[vector<16xi32>, vector<16xi32>], vector<16xi32>,
    %dma_wait3A_474 = arith.constant 0 : i32
    %dma_wait3A_475 = arith.constant 0 : i32
    %dma_wait3A_476 = tpu.memref_slice %arg9[%dma_wait3A_474, %dma_wait3A_475] : memref<2x128xi32, #tpu.memory_space<vmem>> -> memref<1x128xi32, #tpu.memory_space<vmem>>
    %dma_wait3A_477 = tpu.memref_squeeze %dma_wait3A_476 : memref<1x128xi32, #tpu.memory_space<vmem>> -> memref<128xi32, #tpu.memory_space<vmem>>
    %dma_wait3A_478 = arith.constant 0 : i32
    %dma_wait3A_479 = arith.constant 0 : i32
    %dma_wait3A_480 = tpu.memref_slice %arg2[%dma_wait3A_478, %dma_wait3A_479] : memref<10000x128xf32, #tpu.memory_space<hbm>> -> memref<10000x128xf32, #tpu.memory_space<hbm>>
    tpu.wait_indirect_dma semaphore(%arg19 : memref<!tpu.dma_semaphore, #tpu.memory_space<semaphore_mem>>) src(%dma_wait3A_480 : memref<10000x128xf32, #tpu.memory_space<hbm>>) dst(%arg13 : memref<128x128xf32, #tpu.memory_space<vmem>>)
    %get3A_481 = arith.constant 1 : i32
    %get3A_482 = arith.index_cast %get3A_481 : i32 to index
    %get3A_483 = arith.constant 0 : index
    %get3A_484 = tpu.vector_load %arg9[%get3A_482, %get3A_483] {strides = array<i32>} : memref<2x128xi32, #tpu.memory_space<vmem>>, vector<16xi32>,
    %swap3A_485 = arith.constant 0 : index
    %swap3A_486 = tpu.vector_load %arg11[%swap3A_485] {strides = array<i32>} : memref<128xi32, #tpu.memory_space<vmem>>, vector<16xi32>,
    tpu.vector_store %arg11[%swap3A_485], %get3A_484 {strides = array<i32>} : memref<128xi32, #tpu.memory_space<vmem>>, vector<16xi32>,
    %get3A_487 = arith.constant 1 : i32
    %get3A_488 = arith.index_cast %get3A_487 : i32 to index
    %get3A_489 = arith.constant 16 : index
    %get3A_490 = tpu.vector_load %arg9[%get3A_488, %get3A_489] {strides = array<i32>} : memref<2x128xi32, #tpu.memory_space<vmem>>, vector<16xi32>,
    %swap3A_491 = arith.constant 16 : index
    %swap3A_492 = tpu.vector_load %arg11[%swap3A_491] {strides = array<i32>} : memref<128xi32, #tpu.memory_space<vmem>>, vector<16xi32>,
    tpu.vector_store %arg11[%swap3A_491], %get3A_490 {strides = array<i32>} : memref<128xi32, #tpu.memory_space<vmem>>, vector<16xi32>,
    %get3A_493 = arith.constant 1 : i32
    %get3A_494 = arith.index_cast %get3A_493 : i32 to index
    %get3A_495 = arith.constant 32 : index
    %get3A_496 = tpu.vector_load %arg9[%get3A_494, %get3A_495] {strides = array<i32>} : memref<2x128xi32, #tpu.memory_space<vmem>>, vector<16xi32>,
    %swap3A_497 = arith.constant 32 : index
    %swap3A_498 = tpu.vector_load %arg11[%swap3A_497] {strides = array<i32>} : memref<128xi32, #tpu.memory_space<vmem>>, vector<16xi32>,
    tpu.vector_store %arg11[%swap3A_497], %get3A_496 {strides = array<i32>} : memref<128xi32, #tpu.memory_space<vmem>>, vector<16xi32>,
    %get3A_499 = arith.constant 1 : i32
    %get3A_500 = arith.index_cast %get3A_499 : i32 to index
    %get3A_501 = arith.constant 48 : index
    %get3A_502 = tpu.vector_load %arg9[%get3A_500, %get3A_501] {strides = array<i32>} : memref<2x128xi32, #tpu.memory_space<vmem>>, vector<16xi32>,
    %swap3A_503 = arith.constant 48 : index
    %swap3A_504 = tpu.vector_load %arg11[%swap3A_503] {strides = array<i32>} : memref<128xi32, #tpu.memory_space<vmem>>, vector<16xi32>,
    tpu.vector_store %arg11[%swap3A_503], %get3A_502 {strides = array<i32>} : memref<128xi32, #tpu.memory_space<vmem>>, vector<16xi32>,
    %get3A_505 = arith.constant 1 : i32
    %get3A_506 = arith.index_cast %get3A_505 : i32 to index
    %get3A_507 = arith.constant 64 : index
    %get3A_508 = tpu.vector_load %arg9[%get3A_506, %get3A_507] {strides = array<i32>} : memref<2x128xi32, #tpu.memory_space<vmem>>, vector<16xi32>,
    %swap3A_509 = arith.constant 64 : index
    %swap3A_510 = tpu.vector_load %arg11[%swap3A_509] {strides = array<i32>} : memref<128xi32, #tpu.memory_space<vmem>>, vector<16xi32>,
    tpu.vector_store %arg11[%swap3A_509], %get3A_508 {strides = array<i32>} : memref<128xi32, #tpu.memory_space<vmem>>, vector<16xi32>,
    %get3A_511 = arith.constant 1 : i32
    %get3A_512 = arith.index_cast %get3A_511 : i32 to index
    %get3A_513 = arith.constant 80 : index
    %get3A_514 = tpu.vector_load %arg9[%get3A_512, %get3A_513] {strides = array<i32>} : memref<2x128xi32, #tpu.memory_space<vmem>>, vector<16xi32>,
    %swap3A_515 = arith.constant 80 : index
    %swap3A_516 = tpu.vector_load %arg11[%swap3A_515] {strides = array<i32>} : memref<128xi32, #tpu.memory_space<vmem>>, vector<16xi32>,
    tpu.vector_store %arg11[%swap3A_515], %get3A_514 {strides = array<i32>} : memref<128xi32, #tpu.memory_space<vmem>>, vector<16xi32>,
    %get3A_517 = arith.constant 1 : i32
    %get3A_518 = arith.index_cast %get3A_517 : i32 to index
    %get3A_519 = arith.constant 96 : index
    %get3A_520 = tpu.vector_load %arg9[%get3A_518, %get3A_519] {strides = array<i32>} : memref<2x128xi32, #tpu.memory_space<vmem>>, vector<16xi32>,
    %swap3A_521 = arith.constant 96 : index
    %swap3A_522 = tpu.vector_load %arg11[%swap3A_521] {strides = array<i32>} : memref<128xi32, #tpu.memory_space<vmem>>, vector<16xi32>,
    tpu.vector_store %arg11[%swap3A_521], %get3A_520 {strides = array<i32>} : memref<128xi32, #tpu.memory_space<vmem>>, vector<16xi32>,
    %get3A_523 = arith.constant 1 : i32
    %get3A_524 = arith.index_cast %get3A_523 : i32 to index
    %get3A_525 = arith.constant 112 : index
    %get3A_526 = tpu.vector_load %arg9[%get3A_524, %get3A_525] {strides = array<i32>} : memref<2x128xi32, #tpu.memory_space<vmem>>, vector<16xi32>,
    %swap3A_527 = arith.constant 112 : index
    %swap3A_528 = tpu.vector_load %arg11[%swap3A_527] {strides = array<i32>} : memref<128xi32, #tpu.memory_space<vmem>>, vector<16xi32>,
    tpu.vector_store %arg11[%swap3A_527], %get3A_526 {strides = array<i32>} : memref<128xi32, #tpu.memory_space<vmem>>, vector<16xi32>,
    %dma_start3A_529 = arith.constant 0 : i32
    %dma_start3A_530 = arith.constant 0 : i32
    %dma_start3A_531 = tpu.memref_slice %arg6[%dma_start3A_529, %dma_start3A_530] : memref<10112x128xf32, #tpu.memory_space<vmem_shared>> -> memref<10112x128xf32, #tpu.memory_space<vmem_shared>>
    tpu.enqueue_indirect_dma source(%arg13 : memref<128x128xf32, #tpu.memory_space<vmem>>) target(%dma_start3A_531 : memref<10112x128xf32, #tpu.memory_space<vmem_shared>>) offsets(%arg11 : memref<128xi32, #tpu.memory_space<vmem>>) semaphore(%arg21 : memref<!tpu.dma_semaphore, #tpu.memory_space<semaphore_mem>>) {add = true}
    %min3A_532 = arith.constant 3 : i32
    %min3A_533 = arith.constant 77 : i32
    %min3A_534 = arith.minsi %min3A_532, %min3A_533 : i32
    %mul3A_535 = arith.constant 32 : i32
    %mul3A_536 = arith.muli %min3A_534, %mul3A_535 : i32
    %add3A_537 = arith.addi %mul3A_536, %add3A : i32
    %dma_start3A_538 = arith.constant 0 : i32
    %dma_start3A_539 = arith.constant 0 : i32
    %dma_start3A_540 = tpu.memref_slice %arg3[%add3A_537, %dma_start3A_538, %dma_start3A_539] : memref<2500x2x128xi32, #tpu.memory_space<hbm>> -> memref<1x2x128xi32, #tpu.memory_space<hbm>>
    %dma_start3A_541 = tpu.memref_squeeze %dma_start3A_540 : memref<1x2x128xi32, #tpu.memory_space<hbm>> -> memref<2x128xi32, #tpu.memory_space<hbm>>
    %dma_start3A_542 = arith.constant 0 : i32
    %dma_start3A_543 = arith.constant 0 : i32
    %dma_start3A_544 = tpu.memref_slice %arg3[%add3A_537, %dma_start3A_542, %dma_start3A_543] : memref<2500x2x128xi32, #tpu.memory_space<hbm>> -> memref<1x2x128xi32, #tpu.memory_space<hbm>>
    %dma_start3A_545 = tpu.memref_squeeze %dma_start3A_544 : memref<1x2x128xi32, #tpu.memory_space<hbm>> -> memref<2x128xi32, #tpu.memory_space<hbm>>
    tpu.enqueue_dma source(%dma_start3A_545 : memref<2x128xi32, #tpu.memory_space<hbm>>) target(%arg9 : memref<2x128xi32, #tpu.memory_space<vmem>>) target_semaphore(%arg17 : memref<!tpu.dma_semaphore, #tpu.memory_space<semaphore_mem>>)
    %get3A_546 = arith.constant 0 : index
    %get3A_547 = tpu.vector_load %arg11[%get3A_546] {strides = array<i32>} : memref<128xi32, #tpu.memory_space<vmem>>, vector<16xi32>,
    %shift_right_logical3A_548 = arith.constant 7 : i32
    %shift_right_logical3A_549 = vector.broadcast %shift_right_logical3A_548 : i32 to vector<16xi32>
    %shift_right_logical3A_550 = arith.shrui %get3A_547, %shift_right_logical3A_549 : vector<16xi32>
    %and3A_551 = arith.constant 127 : i32
    %and3A_552 = vector.broadcast %and3A_551 : i32 to vector<16xi32>
    %and3A_553 = arith.andi %get3A_547, %and3A_552 : vector<16xi32>
    tpu.vector_store_idx %arg14[%shift_right_logical3A_550, %and3A_553], %broadcast_in_dim3A_1 {add = true} : memref<79x128xi32, #tpu.memory_space<vmem>>[vector<16xi32>, vector<16xi32>], vector<16xi32>,
    %get3A_554 = arith.constant 16 : index
    %get3A_555 = tpu.vector_load %arg11[%get3A_554] {strides = array<i32>} : memref<128xi32, #tpu.memory_space<vmem>>, vector<16xi32>,
    %shift_right_logical3A_556 = arith.constant 7 : i32
    %shift_right_logical3A_557 = vector.broadcast %shift_right_logical3A_556 : i32 to vector<16xi32>
    %shift_right_logical3A_558 = arith.shrui %get3A_555, %shift_right_logical3A_557 : vector<16xi32>
    %and3A_559 = arith.constant 127 : i32
    %and3A_560 = vector.broadcast %and3A_559 : i32 to vector<16xi32>
    %and3A_561 = arith.andi %get3A_555, %and3A_560 : vector<16xi32>
    tpu.vector_store_idx %arg14[%shift_right_logical3A_558, %and3A_561], %broadcast_in_dim3A_1 {add = true} : memref<79x128xi32, #tpu.memory_space<vmem>>[vector<16xi32>, vector<16xi32>], vector<16xi32>,
    %get3A_562 = arith.constant 32 : index
    %get3A_563 = tpu.vector_load %arg11[%get3A_562] {strides = array<i32>} : memref<128xi32, #tpu.memory_space<vmem>>, vector<16xi32>,
    %shift_right_logical3A_564 = arith.constant 7 : i32
    %shift_right_logical3A_565 = vector.broadcast %shift_right_logical3A_564 : i32 to vector<16xi32>
    %shift_right_logical3A_566 = arith.shrui %get3A_563, %shift_right_logical3A_565 : vector<16xi32>
    %and3A_567 = arith.constant 127 : i32
    %and3A_568 = vector.broadcast %and3A_567 : i32 to vector<16xi32>
    %and3A_569 = arith.andi %get3A_563, %and3A_568 : vector<16xi32>
    tpu.vector_store_idx %arg14[%shift_right_logical3A_566, %and3A_569], %broadcast_in_dim3A_1 {add = true} : memref<79x128xi32, #tpu.memory_space<vmem>>[vector<16xi32>, vector<16xi32>], vector<16xi32>,
    %get3A_570 = arith.constant 48 : index
    %get3A_571 = tpu.vector_load %arg11[%get3A_570] {strides = array<i32>} : memref<128xi32, #tpu.memory_space<vmem>>, vector<16xi32>,
    %shift_right_logical3A_572 = arith.constant 7 : i32
    %shift_right_logical3A_573 = vector.broadcast %shift_right_logical3A_572 : i32 to vector<16xi32>
    %shift_right_logical3A_574 = arith.shrui %get3A_571, %shift_right_logical3A_573 : vector<16xi32>
    %and3A_575 = arith.constant 127 : i32
    %and3A_576 = vector.broadcast %and3A_575 : i32 to vector<16xi32>
    %and3A_577 = arith.andi %get3A_571, %and3A_576 : vector<16xi32>
    tpu.vector_store_idx %arg14[%shift_right_logical3A_574, %and3A_577], %broadcast_in_dim3A_1 {add = true} : memref<79x128xi32, #tpu.memory_space<vmem>>[vector<16xi32>, vector<16xi32>], vector<16xi32>,
    %get3A_578 = arith.constant 64 : index
    %get3A_579 = tpu.vector_load %arg11[%get3A_578] {strides = array<i32>} : memref<128xi32, #tpu.memory_space<vmem>>, vector<16xi32>,
    %shift_right_logical3A_580 = arith.constant 7 : i32
    %shift_right_logical3A_581 = vector.broadcast %shift_right_logical3A_580 : i32 to vector<16xi32>
    %shift_right_logical3A_582 = arith.shrui %get3A_579, %shift_right_logical3A_581 : vector<16xi32>
    %and3A_583 = arith.constant 127 : i32
    %and3A_584 = vector.broadcast %and3A_583 : i32 to vector<16xi32>
    %and3A_585 = arith.andi %get3A_579, %and3A_584 : vector<16xi32>
    tpu.vector_store_idx %arg14[%shift_right_logical3A_582, %and3A_585], %broadcast_in_dim3A_1 {add = true} : memref<79x128xi32, #tpu.memory_space<vmem>>[vector<16xi32>, vector<16xi32>], vector<16xi32>,
    %get3A_586 = arith.constant 80 : index
    %get3A_587 = tpu.vector_load %arg11[%get3A_586] {strides = array<i32>} : memref<128xi32, #tpu.memory_space<vmem>>, vector<16xi32>,
    %shift_right_logical3A_588 = arith.constant 7 : i32
    %shift_right_logical3A_589 = vector.broadcast %shift_right_logical3A_588 : i32 to vector<16xi32>
    %shift_right_logical3A_590 = arith.shrui %get3A_587, %shift_right_logical3A_589 : vector<16xi32>
    %and3A_591 = arith.constant 127 : i32
    %and3A_592 = vector.broadcast %and3A_591 : i32 to vector<16xi32>
    %and3A_593 = arith.andi %get3A_587, %and3A_592 : vector<16xi32>
    tpu.vector_store_idx %arg14[%shift_right_logical3A_590, %and3A_593], %broadcast_in_dim3A_1 {add = true} : memref<79x128xi32, #tpu.memory_space<vmem>>[vector<16xi32>, vector<16xi32>], vector<16xi32>,
    %get3A_594 = arith.constant 96 : index
    %get3A_595 = tpu.vector_load %arg11[%get3A_594] {strides = array<i32>} : memref<128xi32, #tpu.memory_space<vmem>>, vector<16xi32>,
    %shift_right_logical3A_596 = arith.constant 7 : i32
    %shift_right_logical3A_597 = vector.broadcast %shift_right_logical3A_596 : i32 to vector<16xi32>
    %shift_right_logical3A_598 = arith.shrui %get3A_595, %shift_right_logical3A_597 : vector<16xi32>
    %and3A_599 = arith.constant 127 : i32
    %and3A_600 = vector.broadcast %and3A_599 : i32 to vector<16xi32>
    %and3A_601 = arith.andi %get3A_595, %and3A_600 : vector<16xi32>
    tpu.vector_store_idx %arg14[%shift_right_logical3A_598, %and3A_601], %broadcast_in_dim3A_1 {add = true} : memref<79x128xi32, #tpu.memory_space<vmem>>[vector<16xi32>, vector<16xi32>], vector<16xi32>,
    %get3A_602 = arith.constant 112 : index
    %get3A_603 = tpu.vector_load %arg11[%get3A_602] {strides = array<i32>} : memref<128xi32, #tpu.memory_space<vmem>>, vector<16xi32>,
    %shift_right_logical3A_604 = arith.constant 7 : i32
    %shift_right_logical3A_605 = vector.broadcast %shift_right_logical3A_604 : i32 to vector<16xi32>
    %shift_right_logical3A_606 = arith.shrui %get3A_603, %shift_right_logical3A_605 : vector<16xi32>
    %and3A_607 = arith.constant 127 : i32
    %and3A_608 = vector.broadcast %and3A_607 : i32 to vector<16xi32>
    %and3A_609 = arith.andi %get3A_603, %and3A_608 : vector<16xi32>
    tpu.vector_store_idx %arg14[%shift_right_logical3A_606, %and3A_609], %broadcast_in_dim3A_1 {add = true} : memref<79x128xi32, #tpu.memory_space<vmem>>[vector<16xi32>, vector<16xi32>], vector<16xi32>,
    %dma_wait3A_610 = arith.constant 0 : i32
    %dma_wait3A_611 = arith.constant 0 : i32
    %dma_wait3A_612 = tpu.memref_slice %arg6[%dma_wait3A_610, %dma_wait3A_611] : memref<10112x128xf32, #tpu.memory_space<vmem_shared>> -> memref<10112x128xf32, #tpu.memory_space<vmem_shared>>
    tpu.wait_indirect_dma semaphore(%arg20 : memref<!tpu.dma_semaphore, #tpu.memory_space<semaphore_mem>>) src(%arg12 : memref<128x128xf32, #tpu.memory_space<vmem>>) dst(%dma_wait3A_612 : memref<10112x128xf32, #tpu.memory_space<vmem_shared>>)
    %dma_wait3A_613 = arith.constant 0 : i32
    %dma_wait3A_614 = arith.constant 0 : i32
    %dma_wait3A_615 = arith.constant 0 : i32
    %dma_wait3A_616 = tpu.memref_slice %arg3[%dma_wait3A_613, %dma_wait3A_614, %dma_wait3A_615] : memref<2500x2x128xi32, #tpu.memory_space<hbm>> -> memref<1x2x128xi32, #tpu.memory_space<hbm>>
    %dma_wait3A_617 = tpu.memref_squeeze %dma_wait3A_616 : memref<1x2x128xi32, #tpu.memory_space<hbm>> -> memref<2x128xi32, #tpu.memory_space<hbm>>
    %dma_wait3A_618 = arith.constant 0 : i32
    %dma_wait3A_619 = arith.constant 0 : i32
    %dma_wait3A_620 = tpu.memref_slice %arg3[%dma_wait3A_613, %dma_wait3A_618, %dma_wait3A_619] : memref<2500x2x128xi32, #tpu.memory_space<hbm>> -> memref<1x2x128xi32, #tpu.memory_space<hbm>>
    %dma_wait3A_621 = tpu.memref_squeeze %dma_wait3A_620 : memref<1x2x128xi32, #tpu.memory_space<hbm>> -> memref<2x128xi32, #tpu.memory_space<hbm>>
    tpu.wait_dma2 semaphore(%arg16 : memref<!tpu.dma_semaphore, #tpu.memory_space<semaphore_mem>>) src(%dma_wait3A_621 : memref<2x128xi32, #tpu.memory_space<hbm>>) dst(%arg8 : memref<2x128xi32, #tpu.memory_space<vmem>>)
    %dma_start3A_622 = arith.constant 0 : i32
    %dma_start3A_623 = arith.constant 0 : i32
    %dma_start3A_624 = tpu.memref_slice %arg8[%dma_start3A_622, %dma_start3A_623] : memref<2x128xi32, #tpu.memory_space<vmem>> -> memref<1x128xi32, #tpu.memory_space<vmem>>
    %dma_start3A_625 = tpu.memref_squeeze %dma_start3A_624 : memref<1x128xi32, #tpu.memory_space<vmem>> -> memref<128xi32, #tpu.memory_space<vmem>>
    %dma_start3A_626 = arith.constant 0 : i32
    %dma_start3A_627 = arith.constant 0 : i32
    %dma_start3A_628 = tpu.memref_slice %arg2[%dma_start3A_626, %dma_start3A_627] : memref<10000x128xf32, #tpu.memory_space<hbm>> -> memref<10000x128xf32, #tpu.memory_space<hbm>>
    tpu.enqueue_indirect_dma source(%dma_start3A_628 : memref<10000x128xf32, #tpu.memory_space<hbm>>) target(%arg12 : memref<128x128xf32, #tpu.memory_space<vmem>>) offsets(%dma_start3A_625 : memref<128xi32, #tpu.memory_space<vmem>>) semaphore(%arg18 : memref<!tpu.dma_semaphore, #tpu.memory_space<semaphore_mem>>)
    %scan3A_629 = arith.constant 0 : i32
    %scan3A_630 = arith.constant 1 : i32
    %scan3A_631 = arith.constant 38 : i32
    %scan3A_632 = arith.addi %scan3A_630, %scan3A_631 : i32
    %scan3A_633 = arith.constant 1 : i32
    scf.for %scan3A_668 = %scan3A_630 to %scan3A_632 step %scan3A_633  : i32 {
      %dma_wait3A_669 = arith.constant 0 : i32
      %dma_wait3A_670 = arith.constant 0 : i32
      %dma_wait3A_671 = tpu.memref_slice %arg8[%dma_wait3A_669, %dma_wait3A_670] : memref<2x128xi32, #tpu.memory_space<vmem>> -> memref<1x128xi32, #tpu.memory_space<vmem>>
      %dma_wait3A_672 = tpu.memref_squeeze %dma_wait3A_671 : memref<1x128xi32, #tpu.memory_space<vmem>> -> memref<128xi32, #tpu.memory_space<vmem>>
      %dma_wait3A_673 = arith.constant 0 : i32
      %dma_wait3A_674 = arith.constant 0 : i32
      %dma_wait3A_675 = tpu.memref_slice %arg2[%dma_wait3A_673, %dma_wait3A_674] : memref<10000x128xf32, #tpu.memory_space<hbm>> -> memref<10000x128xf32, #tpu.memory_space<hbm>>
      tpu.wait_indirect_dma semaphore(%arg18 : memref<!tpu.dma_semaphore, #tpu.memory_space<semaphore_mem>>) src(%dma_wait3A_675 : memref<10000x128xf32, #tpu.memory_space<hbm>>) dst(%arg12 : memref<128x128xf32, #tpu.memory_space<vmem>>)
      %get3A_676 = arith.constant 1 : i32
      %get3A_677 = arith.index_cast %get3A_676 : i32 to index
      %get3A_678 = arith.constant 0 : index
      %get3A_679 = tpu.vector_load %arg8[%get3A_677, %get3A_678] {strides = array<i32>} : memref<2x128xi32, #tpu.memory_space<vmem>>, vector<16xi32>,
      %swap3A_680 = arith.constant 0 : index
      %swap3A_681 = tpu.vector_load %arg10[%swap3A_680] {strides = array<i32>} : memref<128xi32, #tpu.memory_space<vmem>>, vector<16xi32>,
      tpu.vector_store %arg10[%swap3A_680], %get3A_679 {strides = array<i32>} : memref<128xi32, #tpu.memory_space<vmem>>, vector<16xi32>,
      %get3A_682 = arith.constant 1 : i32
      %get3A_683 = arith.index_cast %get3A_682 : i32 to index
      %get3A_684 = arith.constant 16 : index
      %get3A_685 = tpu.vector_load %arg8[%get3A_683, %get3A_684] {strides = array<i32>} : memref<2x128xi32, #tpu.memory_space<vmem>>, vector<16xi32>,
      %swap3A_686 = arith.constant 16 : index
      %swap3A_687 = tpu.vector_load %arg10[%swap3A_686] {strides = array<i32>} : memref<128xi32, #tpu.memory_space<vmem>>, vector<16xi32>,
      tpu.vector_store %arg10[%swap3A_686], %get3A_685 {strides = array<i32>} : memref<128xi32, #tpu.memory_space<vmem>>, vector<16xi32>,
      %get3A_688 = arith.constant 1 : i32
      %get3A_689 = arith.index_cast %get3A_688 : i32 to index
      %get3A_690 = arith.constant 32 : index
      %get3A_691 = tpu.vector_load %arg8[%get3A_689, %get3A_690] {strides = array<i32>} : memref<2x128xi32, #tpu.memory_space<vmem>>, vector<16xi32>,
      %swap3A_692 = arith.constant 32 : index
      %swap3A_693 = tpu.vector_load %arg10[%swap3A_692] {strides = array<i32>} : memref<128xi32, #tpu.memory_space<vmem>>, vector<16xi32>,
      tpu.vector_store %arg10[%swap3A_692], %get3A_691 {strides = array<i32>} : memref<128xi32, #tpu.memory_space<vmem>>, vector<16xi32>,
      %get3A_694 = arith.constant 1 : i32
      %get3A_695 = arith.index_cast %get3A_694 : i32 to index
      %get3A_696 = arith.constant 48 : index
      %get3A_697 = tpu.vector_load %arg8[%get3A_695, %get3A_696] {strides = array<i32>} : memref<2x128xi32, #tpu.memory_space<vmem>>, vector<16xi32>,
      %swap3A_698 = arith.constant 48 : index
      %swap3A_699 = tpu.vector_load %arg10[%swap3A_698] {strides = array<i32>} : memref<128xi32, #tpu.memory_space<vmem>>, vector<16xi32>,
      tpu.vector_store %arg10[%swap3A_698], %get3A_697 {strides = array<i32>} : memref<128xi32, #tpu.memory_space<vmem>>, vector<16xi32>,
      %get3A_700 = arith.constant 1 : i32
      %get3A_701 = arith.index_cast %get3A_700 : i32 to index
      %get3A_702 = arith.constant 64 : index
      %get3A_703 = tpu.vector_load %arg8[%get3A_701, %get3A_702] {strides = array<i32>} : memref<2x128xi32, #tpu.memory_space<vmem>>, vector<16xi32>,
      %swap3A_704 = arith.constant 64 : index
      %swap3A_705 = tpu.vector_load %arg10[%swap3A_704] {strides = array<i32>} : memref<128xi32, #tpu.memory_space<vmem>>, vector<16xi32>,
      tpu.vector_store %arg10[%swap3A_704], %get3A_703 {strides = array<i32>} : memref<128xi32, #tpu.memory_space<vmem>>, vector<16xi32>,
      %get3A_706 = arith.constant 1 : i32
      %get3A_707 = arith.index_cast %get3A_706 : i32 to index
      %get3A_708 = arith.constant 80 : index
      %get3A_709 = tpu.vector_load %arg8[%get3A_707, %get3A_708] {strides = array<i32>} : memref<2x128xi32, #tpu.memory_space<vmem>>, vector<16xi32>,
      %swap3A_710 = arith.constant 80 : index
      %swap3A_711 = tpu.vector_load %arg10[%swap3A_710] {strides = array<i32>} : memref<128xi32, #tpu.memory_space<vmem>>, vector<16xi32>,
      tpu.vector_store %arg10[%swap3A_710], %get3A_709 {strides = array<i32>} : memref<128xi32, #tpu.memory_space<vmem>>, vector<16xi32>,
      %get3A_712 = arith.constant 1 : i32
      %get3A_713 = arith.index_cast %get3A_712 : i32 to index
      %get3A_714 = arith.constant 96 : index
      %get3A_715 = tpu.vector_load %arg8[%get3A_713, %get3A_714] {strides = array<i32>} : memref<2x128xi32, #tpu.memory_space<vmem>>, vector<16xi32>,
      %swap3A_716 = arith.constant 96 : index
      %swap3A_717 = tpu.vector_load %arg10[%swap3A_716] {strides = array<i32>} : memref<128xi32, #tpu.memory_space<vmem>>, vector<16xi32>,
      tpu.vector_store %arg10[%swap3A_716], %get3A_715 {strides = array<i32>} : memref<128xi32, #tpu.memory_space<vmem>>, vector<16xi32>,
      %get3A_718 = arith.constant 1 : i32
      %get3A_719 = arith.index_cast %get3A_718 : i32 to index
      %get3A_720 = arith.constant 112 : index
      %get3A_721 = tpu.vector_load %arg8[%get3A_719, %get3A_720] {strides = array<i32>} : memref<2x128xi32, #tpu.memory_space<vmem>>, vector<16xi32>,
      %swap3A_722 = arith.constant 112 : index
      %swap3A_723 = tpu.vector_load %arg10[%swap3A_722] {strides = array<i32>} : memref<128xi32, #tpu.memory_space<vmem>>, vector<16xi32>,
      tpu.vector_store %arg10[%swap3A_722], %get3A_721 {strides = array<i32>} : memref<128xi32, #tpu.memory_space<vmem>>, vector<16xi32>,
      %dma_start3A_724 = arith.constant 0 : i32
      %dma_start3A_725 = arith.constant 0 : i32
      %dma_start3A_726 = tpu.memref_slice %arg6[%dma_start3A_724, %dma_start3A_725] : memref<10112x128xf32, #tpu.memory_space<vmem_shared>> -> memref<10112x128xf32, #tpu.memory_space<vmem_shared>>
      tpu.enqueue_indirect_dma source(%arg12 : memref<128x128xf32, #tpu.memory_space<vmem>>) target(%dma_start3A_726 : memref<10112x128xf32, #tpu.memory_space<vmem_shared>>) offsets(%arg10 : memref<128xi32, #tpu.memory_space<vmem>>) semaphore(%arg20 : memref<!tpu.dma_semaphore, #tpu.memory_space<semaphore_mem>>) {add = true}
      %mul3A_727 = arith.constant 2 : i32
      %mul3A_728 = arith.muli %mul3A_727, %scan3A_668 : i32
      %add3A_729 = arith.constant 2 : i32
      %add3A_730 = arith.addi %mul3A_728, %add3A_729 : i32
      %min3A_731 = arith.constant 77 : i32
      %min3A_732 = arith.minsi %add3A_730, %min3A_731 : i32
      %mul3A_733 = arith.constant 32 : i32
      %mul3A_734 = arith.muli %min3A_732, %mul3A_733 : i32
      %add3A_735 = arith.addi %mul3A_734, %add3A : i32
      %dma_start3A_736 = arith.constant 0 : i32
      %dma_start3A_737 = arith.constant 0 : i32
      %dma_start3A_738 = tpu.memref_slice %arg3[%add3A_735, %dma_start3A_736, %dma_start3A_737] : memref<2500x2x128xi32, #tpu.memory_space<hbm>> -> memref<1x2x128xi32, #tpu.memory_space<hbm>>
      %dma_start3A_739 = tpu.memref_squeeze %dma_start3A_738 : memref<1x2x128xi32, #tpu.memory_space<hbm>> -> memref<2x128xi32, #tpu.memory_space<hbm>>
      %dma_start3A_740 = arith.constant 0 : i32
      %dma_start3A_741 = arith.constant 0 : i32
      %dma_start3A_742 = tpu.memref_slice %arg3[%add3A_735, %dma_start3A_740, %dma_start3A_741] : memref<2500x2x128xi32, #tpu.memory_space<hbm>> -> memref<1x2x128xi32, #tpu.memory_space<hbm>>
      %dma_start3A_743 = tpu.memref_squeeze %dma_start3A_742 : memref<1x2x128xi32, #tpu.memory_space<hbm>> -> memref<2x128xi32, #tpu.memory_space<hbm>>
      tpu.enqueue_dma source(%dma_start3A_743 : memref<2x128xi32, #tpu.memory_space<hbm>>) target(%arg8 : memref<2x128xi32, #tpu.memory_space<vmem>>) target_semaphore(%arg16 : memref<!tpu.dma_semaphore, #tpu.memory_space<semaphore_mem>>)
      %get3A_744 = arith.constant 0 : index
      %get3A_745 = tpu.vector_load %arg10[%get3A_744] {strides = array<i32>} : memref<128xi32, #tpu.memory_space<vmem>>, vector<16xi32>,
      %shift_right_logical3A_746 = arith.constant 7 : i32
      %shift_right_logical3A_747 = vector.broadcast %shift_right_logical3A_746 : i32 to vector<16xi32>
      %shift_right_logical3A_748 = arith.shrui %get3A_745, %shift_right_logical3A_747 : vector<16xi32>
      %and3A_749 = arith.constant 127 : i32
      %and3A_750 = vector.broadcast %and3A_749 : i32 to vector<16xi32>
      %and3A_751 = arith.andi %get3A_745, %and3A_750 : vector<16xi32>
      tpu.vector_store_idx %arg14[%shift_right_logical3A_748, %and3A_751], %broadcast_in_dim3A_1 {add = true} : memref<79x128xi32, #tpu.memory_space<vmem>>[vector<16xi32>, vector<16xi32>], vector<16xi32>,
      %get3A_752 = arith.constant 16 : index
      %get3A_753 = tpu.vector_load %arg10[%get3A_752] {strides = array<i32>} : memref<128xi32, #tpu.memory_space<vmem>>, vector<16xi32>,
      %shift_right_logical3A_754 = arith.constant 7 : i32
      %shift_right_logical3A_755 = vector.broadcast %shift_right_logical3A_754 : i32 to vector<16xi32>
      %shift_right_logical3A_756 = arith.shrui %get3A_753, %shift_right_logical3A_755 : vector<16xi32>
      %and3A_757 = arith.constant 127 : i32
      %and3A_758 = vector.broadcast %and3A_757 : i32 to vector<16xi32>
      %and3A_759 = arith.andi %get3A_753, %and3A_758 : vector<16xi32>
      tpu.vector_store_idx %arg14[%shift_right_logical3A_756, %and3A_759], %broadcast_in_dim3A_1 {add = true} : memref<79x128xi32, #tpu.memory_space<vmem>>[vector<16xi32>, vector<16xi32>], vector<16xi32>,
      %get3A_760 = arith.constant 32 : index
      %get3A_761 = tpu.vector_load %arg10[%get3A_760] {strides = array<i32>} : memref<128xi32, #tpu.memory_space<vmem>>, vector<16xi32>,
      %shift_right_logical3A_762 = arith.constant 7 : i32
      %shift_right_logical3A_763 = vector.broadcast %shift_right_logical3A_762 : i32 to vector<16xi32>
      %shift_right_logical3A_764 = arith.shrui %get3A_761, %shift_right_logical3A_763 : vector<16xi32>
      %and3A_765 = arith.constant 127 : i32
      %and3A_766 = vector.broadcast %and3A_765 : i32 to vector<16xi32>
      %and3A_767 = arith.andi %get3A_761, %and3A_766 : vector<16xi32>
      tpu.vector_store_idx %arg14[%shift_right_logical3A_764, %and3A_767], %broadcast_in_dim3A_1 {add = true} : memref<79x128xi32, #tpu.memory_space<vmem>>[vector<16xi32>, vector<16xi32>], vector<16xi32>,
      %get3A_768 = arith.constant 48 : index
      %get3A_769 = tpu.vector_load %arg10[%get3A_768] {strides = array<i32>} : memref<128xi32, #tpu.memory_space<vmem>>, vector<16xi32>,
      %shift_right_logical3A_770 = arith.constant 7 : i32
      %shift_right_logical3A_771 = vector.broadcast %shift_right_logical3A_770 : i32 to vector<16xi32>
      %shift_right_logical3A_772 = arith.shrui %get3A_769, %shift_right_logical3A_771 : vector<16xi32>
      %and3A_773 = arith.constant 127 : i32
      %and3A_774 = vector.broadcast %and3A_773 : i32 to vector<16xi32>
      %and3A_775 = arith.andi %get3A_769, %and3A_774 : vector<16xi32>
      tpu.vector_store_idx %arg14[%shift_right_logical3A_772, %and3A_775], %broadcast_in_dim3A_1 {add = true} : memref<79x128xi32, #tpu.memory_space<vmem>>[vector<16xi32>, vector<16xi32>], vector<16xi32>,
      %get3A_776 = arith.constant 64 : index
      %get3A_777 = tpu.vector_load %arg10[%get3A_776] {strides = array<i32>} : memref<128xi32, #tpu.memory_space<vmem>>, vector<16xi32>,
      %shift_right_logical3A_778 = arith.constant 7 : i32
      %shift_right_logical3A_779 = vector.broadcast %shift_right_logical3A_778 : i32 to vector<16xi32>
      %shift_right_logical3A_780 = arith.shrui %get3A_777, %shift_right_logical3A_779 : vector<16xi32>
      %and3A_781 = arith.constant 127 : i32
      %and3A_782 = vector.broadcast %and3A_781 : i32 to vector<16xi32>
      %and3A_783 = arith.andi %get3A_777, %and3A_782 : vector<16xi32>
      tpu.vector_store_idx %arg14[%shift_right_logical3A_780, %and3A_783], %broadcast_in_dim3A_1 {add = true} : memref<79x128xi32, #tpu.memory_space<vmem>>[vector<16xi32>, vector<16xi32>], vector<16xi32>,
      %get3A_784 = arith.constant 80 : index
      %get3A_785 = tpu.vector_load %arg10[%get3A_784] {strides = array<i32>} : memref<128xi32, #tpu.memory_space<vmem>>, vector<16xi32>,
      %shift_right_logical3A_786 = arith.constant 7 : i32
      %shift_right_logical3A_787 = vector.broadcast %shift_right_logical3A_786 : i32 to vector<16xi32>
      %shift_right_logical3A_788 = arith.shrui %get3A_785, %shift_right_logical3A_787 : vector<16xi32>
      %and3A_789 = arith.constant 127 : i32
      %and3A_790 = vector.broadcast %and3A_789 : i32 to vector<16xi32>
      %and3A_791 = arith.andi %get3A_785, %and3A_790 : vector<16xi32>
      tpu.vector_store_idx %arg14[%shift_right_logical3A_788, %and3A_791], %broadcast_in_dim3A_1 {add = true} : memref<79x128xi32, #tpu.memory_space<vmem>>[vector<16xi32>, vector<16xi32>], vector<16xi32>,
      %get3A_792 = arith.constant 96 : index
      %get3A_793 = tpu.vector_load %arg10[%get3A_792] {strides = array<i32>} : memref<128xi32, #tpu.memory_space<vmem>>, vector<16xi32>,
      %shift_right_logical3A_794 = arith.constant 7 : i32
      %shift_right_logical3A_795 = vector.broadcast %shift_right_logical3A_794 : i32 to vector<16xi32>
      %shift_right_logical3A_796 = arith.shrui %get3A_793, %shift_right_logical3A_795 : vector<16xi32>
      %and3A_797 = arith.constant 127 : i32
      %and3A_798 = vector.broadcast %and3A_797 : i32 to vector<16xi32>
      %and3A_799 = arith.andi %get3A_793, %and3A_798 : vector<16xi32>
      tpu.vector_store_idx %arg14[%shift_right_logical3A_796, %and3A_799], %broadcast_in_dim3A_1 {add = true} : memref<79x128xi32, #tpu.memory_space<vmem>>[vector<16xi32>, vector<16xi32>], vector<16xi32>,
      %get3A_800 = arith.constant 112 : index
      %get3A_801 = tpu.vector_load %arg10[%get3A_800] {strides = array<i32>} : memref<128xi32, #tpu.memory_space<vmem>>, vector<16xi32>,
      %shift_right_logical3A_802 = arith.constant 7 : i32
      %shift_right_logical3A_803 = vector.broadcast %shift_right_logical3A_802 : i32 to vector<16xi32>
      %shift_right_logical3A_804 = arith.shrui %get3A_801, %shift_right_logical3A_803 : vector<16xi32>
      %and3A_805 = arith.constant 127 : i32
      %and3A_806 = vector.broadcast %and3A_805 : i32 to vector<16xi32>
      %and3A_807 = arith.andi %get3A_801, %and3A_806 : vector<16xi32>
      tpu.vector_store_idx %arg14[%shift_right_logical3A_804, %and3A_807], %broadcast_in_dim3A_1 {add = true} : memref<79x128xi32, #tpu.memory_space<vmem>>[vector<16xi32>, vector<16xi32>], vector<16xi32>,
      %dma_wait3A_808 = arith.constant 0 : i32
      %dma_wait3A_809 = arith.constant 0 : i32
      %dma_wait3A_810 = tpu.memref_slice %arg6[%dma_wait3A_808, %dma_wait3A_809] : memref<10112x128xf32, #tpu.memory_space<vmem_shared>> -> memref<10112x128xf32, #tpu.memory_space<vmem_shared>>
      tpu.wait_indirect_dma semaphore(%arg21 : memref<!tpu.dma_semaphore, #tpu.memory_space<semaphore_mem>>) src(%arg13 : memref<128x128xf32, #tpu.memory_space<vmem>>) dst(%dma_wait3A_810 : memref<10112x128xf32, #tpu.memory_space<vmem_shared>>)
      %dma_wait3A_811 = arith.constant 0 : i32
      %dma_wait3A_812 = arith.constant 0 : i32
      %dma_wait3A_813 = arith.constant 0 : i32
      %dma_wait3A_814 = tpu.memref_slice %arg3[%dma_wait3A_811, %dma_wait3A_812, %dma_wait3A_813] : memref<2500x2x128xi32, #tpu.memory_space<hbm>> -> memref<1x2x128xi32, #tpu.memory_space<hbm>>
      %dma_wait3A_815 = tpu.memref_squeeze %dma_wait3A_814 : memref<1x2x128xi32, #tpu.memory_space<hbm>> -> memref<2x128xi32, #tpu.memory_space<hbm>>
      %dma_wait3A_816 = arith.constant 0 : i32
      %dma_wait3A_817 = arith.constant 0 : i32
      %dma_wait3A_818 = tpu.memref_slice %arg3[%dma_wait3A_811, %dma_wait3A_816, %dma_wait3A_817] : memref<2500x2x128xi32, #tpu.memory_space<hbm>> -> memref<1x2x128xi32, #tpu.memory_space<hbm>>
      %dma_wait3A_819 = tpu.memref_squeeze %dma_wait3A_818 : memref<1x2x128xi32, #tpu.memory_space<hbm>> -> memref<2x128xi32, #tpu.memory_space<hbm>>
      tpu.wait_dma2 semaphore(%arg17 : memref<!tpu.dma_semaphore, #tpu.memory_space<semaphore_mem>>) src(%dma_wait3A_819 : memref<2x128xi32, #tpu.memory_space<hbm>>) dst(%arg9 : memref<2x128xi32, #tpu.memory_space<vmem>>)
      %dma_start3A_820 = arith.constant 0 : i32
      %dma_start3A_821 = arith.constant 0 : i32
      %dma_start3A_822 = tpu.memref_slice %arg9[%dma_start3A_820, %dma_start3A_821] : memref<2x128xi32, #tpu.memory_space<vmem>> -> memref<1x128xi32, #tpu.memory_space<vmem>>
      %dma_start3A_823 = tpu.memref_squeeze %dma_start3A_822 : memref<1x128xi32, #tpu.memory_space<vmem>> -> memref<128xi32, #tpu.memory_space<vmem>>
      %dma_start3A_824 = arith.constant 0 : i32
      %dma_start3A_825 = arith.constant 0 : i32
      %dma_start3A_826 = tpu.memref_slice %arg2[%dma_start3A_824, %dma_start3A_825] : memref<10000x128xf32, #tpu.memory_space<hbm>> -> memref<10000x128xf32, #tpu.memory_space<hbm>>
      tpu.enqueue_indirect_dma source(%dma_start3A_826 : memref<10000x128xf32, #tpu.memory_space<hbm>>) target(%arg13 : memref<128x128xf32, #tpu.memory_space<vmem>>) offsets(%dma_start3A_823 : memref<128xi32, #tpu.memory_space<vmem>>) semaphore(%arg19 : memref<!tpu.dma_semaphore, #tpu.memory_space<semaphore_mem>>)
      %dma_wait3A_827 = arith.constant 0 : i32
      %dma_wait3A_828 = arith.constant 0 : i32
      %dma_wait3A_829 = tpu.memref_slice %arg9[%dma_wait3A_827, %dma_wait3A_828] : memref<2x128xi32, #tpu.memory_space<vmem>> -> memref<1x128xi32, #tpu.memory_space<vmem>>
      %dma_wait3A_830 = tpu.memref_squeeze %dma_wait3A_829 : memref<1x128xi32, #tpu.memory_space<vmem>> -> memref<128xi32, #tpu.memory_space<vmem>>
      %dma_wait3A_831 = arith.constant 0 : i32
      %dma_wait3A_832 = arith.constant 0 : i32
      %dma_wait3A_833 = tpu.memref_slice %arg2[%dma_wait3A_831, %dma_wait3A_832] : memref<10000x128xf32, #tpu.memory_space<hbm>> -> memref<10000x128xf32, #tpu.memory_space<hbm>>
      tpu.wait_indirect_dma semaphore(%arg19 : memref<!tpu.dma_semaphore, #tpu.memory_space<semaphore_mem>>) src(%dma_wait3A_833 : memref<10000x128xf32, #tpu.memory_space<hbm>>) dst(%arg13 : memref<128x128xf32, #tpu.memory_space<vmem>>)
      %get3A_834 = arith.constant 1 : i32
      %get3A_835 = arith.index_cast %get3A_834 : i32 to index
      %get3A_836 = arith.constant 0 : index
      %get3A_837 = tpu.vector_load %arg9[%get3A_835, %get3A_836] {strides = array<i32>} : memref<2x128xi32, #tpu.memory_space<vmem>>, vector<16xi32>,
      %swap3A_838 = arith.constant 0 : index
      %swap3A_839 = tpu.vector_load %arg11[%swap3A_838] {strides = array<i32>} : memref<128xi32, #tpu.memory_space<vmem>>, vector<16xi32>,
      tpu.vector_store %arg11[%swap3A_838], %get3A_837 {strides = array<i32>} : memref<128xi32, #tpu.memory_space<vmem>>, vector<16xi32>,
      %get3A_840 = arith.constant 1 : i32
      %get3A_841 = arith.index_cast %get3A_840 : i32 to index
      %get3A_842 = arith.constant 16 : index
      %get3A_843 = tpu.vector_load %arg9[%get3A_841, %get3A_842] {strides = array<i32>} : memref<2x128xi32, #tpu.memory_space<vmem>>, vector<16xi32>,
      %swap3A_844 = arith.constant 16 : index
      %swap3A_845 = tpu.vector_load %arg11[%swap3A_844] {strides = array<i32>} : memref<128xi32, #tpu.memory_space<vmem>>, vector<16xi32>,
      tpu.vector_store %arg11[%swap3A_844], %get3A_843 {strides = array<i32>} : memref<128xi32, #tpu.memory_space<vmem>>, vector<16xi32>,
      %get3A_846 = arith.constant 1 : i32
      %get3A_847 = arith.index_cast %get3A_846 : i32 to index
      %get3A_848 = arith.constant 32 : index
      %get3A_849 = tpu.vector_load %arg9[%get3A_847, %get3A_848] {strides = array<i32>} : memref<2x128xi32, #tpu.memory_space<vmem>>, vector<16xi32>,
      %swap3A_850 = arith.constant 32 : index
      %swap3A_851 = tpu.vector_load %arg11[%swap3A_850] {strides = array<i32>} : memref<128xi32, #tpu.memory_space<vmem>>, vector<16xi32>,
      tpu.vector_store %arg11[%swap3A_850], %get3A_849 {strides = array<i32>} : memref<128xi32, #tpu.memory_space<vmem>>, vector<16xi32>,
      %get3A_852 = arith.constant 1 : i32
      %get3A_853 = arith.index_cast %get3A_852 : i32 to index
      %get3A_854 = arith.constant 48 : index
      %get3A_855 = tpu.vector_load %arg9[%get3A_853, %get3A_854] {strides = array<i32>} : memref<2x128xi32, #tpu.memory_space<vmem>>, vector<16xi32>,
      %swap3A_856 = arith.constant 48 : index
      %swap3A_857 = tpu.vector_load %arg11[%swap3A_856] {strides = array<i32>} : memref<128xi32, #tpu.memory_space<vmem>>, vector<16xi32>,
      tpu.vector_store %arg11[%swap3A_856], %get3A_855 {strides = array<i32>} : memref<128xi32, #tpu.memory_space<vmem>>, vector<16xi32>,
      %get3A_858 = arith.constant 1 : i32
      %get3A_859 = arith.index_cast %get3A_858 : i32 to index
      %get3A_860 = arith.constant 64 : index
      %get3A_861 = tpu.vector_load %arg9[%get3A_859, %get3A_860] {strides = array<i32>} : memref<2x128xi32, #tpu.memory_space<vmem>>, vector<16xi32>,
      %swap3A_862 = arith.constant 64 : index
      %swap3A_863 = tpu.vector_load %arg11[%swap3A_862] {strides = array<i32>} : memref<128xi32, #tpu.memory_space<vmem>>, vector<16xi32>,
      tpu.vector_store %arg11[%swap3A_862], %get3A_861 {strides = array<i32>} : memref<128xi32, #tpu.memory_space<vmem>>, vector<16xi32>,
      %get3A_864 = arith.constant 1 : i32
      %get3A_865 = arith.index_cast %get3A_864 : i32 to index
      %get3A_866 = arith.constant 80 : index
      %get3A_867 = tpu.vector_load %arg9[%get3A_865, %get3A_866] {strides = array<i32>} : memref<2x128xi32, #tpu.memory_space<vmem>>, vector<16xi32>,
      %swap3A_868 = arith.constant 80 : index
      %swap3A_869 = tpu.vector_load %arg11[%swap3A_868] {strides = array<i32>} : memref<128xi32, #tpu.memory_space<vmem>>, vector<16xi32>,
      tpu.vector_store %arg11[%swap3A_868], %get3A_867 {strides = array<i32>} : memref<128xi32, #tpu.memory_space<vmem>>, vector<16xi32>,
      %get3A_870 = arith.constant 1 : i32
      %get3A_871 = arith.index_cast %get3A_870 : i32 to index
      %get3A_872 = arith.constant 96 : index
      %get3A_873 = tpu.vector_load %arg9[%get3A_871, %get3A_872] {strides = array<i32>} : memref<2x128xi32, #tpu.memory_space<vmem>>, vector<16xi32>,
      %swap3A_874 = arith.constant 96 : index
      %swap3A_875 = tpu.vector_load %arg11[%swap3A_874] {strides = array<i32>} : memref<128xi32, #tpu.memory_space<vmem>>, vector<16xi32>,
      tpu.vector_store %arg11[%swap3A_874], %get3A_873 {strides = array<i32>} : memref<128xi32, #tpu.memory_space<vmem>>, vector<16xi32>,
      %get3A_876 = arith.constant 1 : i32
      %get3A_877 = arith.index_cast %get3A_876 : i32 to index
      %get3A_878 = arith.constant 112 : index
      %get3A_879 = tpu.vector_load %arg9[%get3A_877, %get3A_878] {strides = array<i32>} : memref<2x128xi32, #tpu.memory_space<vmem>>, vector<16xi32>,
      %swap3A_880 = arith.constant 112 : index
      %swap3A_881 = tpu.vector_load %arg11[%swap3A_880] {strides = array<i32>} : memref<128xi32, #tpu.memory_space<vmem>>, vector<16xi32>,
      tpu.vector_store %arg11[%swap3A_880], %get3A_879 {strides = array<i32>} : memref<128xi32, #tpu.memory_space<vmem>>, vector<16xi32>,
      %dma_start3A_882 = arith.constant 0 : i32
      %dma_start3A_883 = arith.constant 0 : i32
      %dma_start3A_884 = tpu.memref_slice %arg6[%dma_start3A_882, %dma_start3A_883] : memref<10112x128xf32, #tpu.memory_space<vmem_shared>> -> memref<10112x128xf32, #tpu.memory_space<vmem_shared>>
      tpu.enqueue_indirect_dma source(%arg13 : memref<128x128xf32, #tpu.memory_space<vmem>>) target(%dma_start3A_884 : memref<10112x128xf32, #tpu.memory_space<vmem_shared>>) offsets(%arg11 : memref<128xi32, #tpu.memory_space<vmem>>) semaphore(%arg21 : memref<!tpu.dma_semaphore, #tpu.memory_space<semaphore_mem>>) {add = true}
      %mul3A_885 = arith.constant 2 : i32
      %mul3A_886 = arith.muli %mul3A_885, %scan3A_668 : i32
      %add3A_887 = arith.constant 3 : i32
      %add3A_888 = arith.addi %mul3A_886, %add3A_887 : i32
      %min3A_889 = arith.constant 77 : i32
      %min3A_890 = arith.minsi %add3A_888, %min3A_889 : i32
      %mul3A_891 = arith.constant 32 : i32
      %mul3A_892 = arith.muli %min3A_890, %mul3A_891 : i32
      %add3A_893 = arith.addi %mul3A_892, %add3A : i32
      %dma_start3A_894 = arith.constant 0 : i32
      %dma_start3A_895 = arith.constant 0 : i32
      %dma_start3A_896 = tpu.memref_slice %arg3[%add3A_893, %dma_start3A_894, %dma_start3A_895] : memref<2500x2x128xi32, #tpu.memory_space<hbm>> -> memref<1x2x128xi32, #tpu.memory_space<hbm>>
      %dma_start3A_897 = tpu.memref_squeeze %dma_start3A_896 : memref<1x2x128xi32, #tpu.memory_space<hbm>> -> memref<2x128xi32, #tpu.memory_space<hbm>>
      %dma_start3A_898 = arith.constant 0 : i32
      %dma_start3A_899 = arith.constant 0 : i32
      %dma_start3A_900 = tpu.memref_slice %arg3[%add3A_893, %dma_start3A_898, %dma_start3A_899] : memref<2500x2x128xi32, #tpu.memory_space<hbm>> -> memref<1x2x128xi32, #tpu.memory_space<hbm>>
      %dma_start3A_901 = tpu.memref_squeeze %dma_start3A_900 : memref<1x2x128xi32, #tpu.memory_space<hbm>> -> memref<2x128xi32, #tpu.memory_space<hbm>>
      tpu.enqueue_dma source(%dma_start3A_901 : memref<2x128xi32, #tpu.memory_space<hbm>>) target(%arg9 : memref<2x128xi32, #tpu.memory_space<vmem>>) target_semaphore(%arg17 : memref<!tpu.dma_semaphore, #tpu.memory_space<semaphore_mem>>)
      %get3A_902 = arith.constant 0 : index
      %get3A_903 = tpu.vector_load %arg11[%get3A_902] {strides = array<i32>} : memref<128xi32, #tpu.memory_space<vmem>>, vector<16xi32>,
      %shift_right_logical3A_904 = arith.constant 7 : i32
      %shift_right_logical3A_905 = vector.broadcast %shift_right_logical3A_904 : i32 to vector<16xi32>
      %shift_right_logical3A_906 = arith.shrui %get3A_903, %shift_right_logical3A_905 : vector<16xi32>
      %and3A_907 = arith.constant 127 : i32
      %and3A_908 = vector.broadcast %and3A_907 : i32 to vector<16xi32>
      %and3A_909 = arith.andi %get3A_903, %and3A_908 : vector<16xi32>
      tpu.vector_store_idx %arg14[%shift_right_logical3A_906, %and3A_909], %broadcast_in_dim3A_1 {add = true} : memref<79x128xi32, #tpu.memory_space<vmem>>[vector<16xi32>, vector<16xi32>], vector<16xi32>,
      %get3A_910 = arith.constant 16 : index
      %get3A_911 = tpu.vector_load %arg11[%get3A_910] {strides = array<i32>} : memref<128xi32, #tpu.memory_space<vmem>>, vector<16xi32>,
      %shift_right_logical3A_912 = arith.constant 7 : i32
      %shift_right_logical3A_913 = vector.broadcast %shift_right_logical3A_912 : i32 to vector<16xi32>
      %shift_right_logical3A_914 = arith.shrui %get3A_911, %shift_right_logical3A_913 : vector<16xi32>
      %and3A_915 = arith.constant 127 : i32
      %and3A_916 = vector.broadcast %and3A_915 : i32 to vector<16xi32>
      %and3A_917 = arith.andi %get3A_911, %and3A_916 : vector<16xi32>
      tpu.vector_store_idx %arg14[%shift_right_logical3A_914, %and3A_917], %broadcast_in_dim3A_1 {add = true} : memref<79x128xi32, #tpu.memory_space<vmem>>[vector<16xi32>, vector<16xi32>], vector<16xi32>,
      %get3A_918 = arith.constant 32 : index
      %get3A_919 = tpu.vector_load %arg11[%get3A_918] {strides = array<i32>} : memref<128xi32, #tpu.memory_space<vmem>>, vector<16xi32>,
      %shift_right_logical3A_920 = arith.constant 7 : i32
      %shift_right_logical3A_921 = vector.broadcast %shift_right_logical3A_920 : i32 to vector<16xi32>
      %shift_right_logical3A_922 = arith.shrui %get3A_919, %shift_right_logical3A_921 : vector<16xi32>
      %and3A_923 = arith.constant 127 : i32
      %and3A_924 = vector.broadcast %and3A_923 : i32 to vector<16xi32>
      %and3A_925 = arith.andi %get3A_919, %and3A_924 : vector<16xi32>
      tpu.vector_store_idx %arg14[%shift_right_logical3A_922, %and3A_925], %broadcast_in_dim3A_1 {add = true} : memref<79x128xi32, #tpu.memory_space<vmem>>[vector<16xi32>, vector<16xi32>], vector<16xi32>,
      %get3A_926 = arith.constant 48 : index
      %get3A_927 = tpu.vector_load %arg11[%get3A_926] {strides = array<i32>} : memref<128xi32, #tpu.memory_space<vmem>>, vector<16xi32>,
      %shift_right_logical3A_928 = arith.constant 7 : i32
      %shift_right_logical3A_929 = vector.broadcast %shift_right_logical3A_928 : i32 to vector<16xi32>
      %shift_right_logical3A_930 = arith.shrui %get3A_927, %shift_right_logical3A_929 : vector<16xi32>
      %and3A_931 = arith.constant 127 : i32
      %and3A_932 = vector.broadcast %and3A_931 : i32 to vector<16xi32>
      %and3A_933 = arith.andi %get3A_927, %and3A_932 : vector<16xi32>
      tpu.vector_store_idx %arg14[%shift_right_logical3A_930, %and3A_933], %broadcast_in_dim3A_1 {add = true} : memref<79x128xi32, #tpu.memory_space<vmem>>[vector<16xi32>, vector<16xi32>], vector<16xi32>,
      %get3A_934 = arith.constant 64 : index
      %get3A_935 = tpu.vector_load %arg11[%get3A_934] {strides = array<i32>} : memref<128xi32, #tpu.memory_space<vmem>>, vector<16xi32>,
      %shift_right_logical3A_936 = arith.constant 7 : i32
      %shift_right_logical3A_937 = vector.broadcast %shift_right_logical3A_936 : i32 to vector<16xi32>
      %shift_right_logical3A_938 = arith.shrui %get3A_935, %shift_right_logical3A_937 : vector<16xi32>
      %and3A_939 = arith.constant 127 : i32
      %and3A_940 = vector.broadcast %and3A_939 : i32 to vector<16xi32>
      %and3A_941 = arith.andi %get3A_935, %and3A_940 : vector<16xi32>
      tpu.vector_store_idx %arg14[%shift_right_logical3A_938, %and3A_941], %broadcast_in_dim3A_1 {add = true} : memref<79x128xi32, #tpu.memory_space<vmem>>[vector<16xi32>, vector<16xi32>], vector<16xi32>,
      %get3A_942 = arith.constant 80 : index
      %get3A_943 = tpu.vector_load %arg11[%get3A_942] {strides = array<i32>} : memref<128xi32, #tpu.memory_space<vmem>>, vector<16xi32>,
      %shift_right_logical3A_944 = arith.constant 7 : i32
      %shift_right_logical3A_945 = vector.broadcast %shift_right_logical3A_944 : i32 to vector<16xi32>
      %shift_right_logical3A_946 = arith.shrui %get3A_943, %shift_right_logical3A_945 : vector<16xi32>
      %and3A_947 = arith.constant 127 : i32
      %and3A_948 = vector.broadcast %and3A_947 : i32 to vector<16xi32>
      %and3A_949 = arith.andi %get3A_943, %and3A_948 : vector<16xi32>
      tpu.vector_store_idx %arg14[%shift_right_logical3A_946, %and3A_949], %broadcast_in_dim3A_1 {add = true} : memref<79x128xi32, #tpu.memory_space<vmem>>[vector<16xi32>, vector<16xi32>], vector<16xi32>,
      %get3A_950 = arith.constant 96 : index
      %get3A_951 = tpu.vector_load %arg11[%get3A_950] {strides = array<i32>} : memref<128xi32, #tpu.memory_space<vmem>>, vector<16xi32>,
      %shift_right_logical3A_952 = arith.constant 7 : i32
      %shift_right_logical3A_953 = vector.broadcast %shift_right_logical3A_952 : i32 to vector<16xi32>
      %shift_right_logical3A_954 = arith.shrui %get3A_951, %shift_right_logical3A_953 : vector<16xi32>
      %and3A_955 = arith.constant 127 : i32
      %and3A_956 = vector.broadcast %and3A_955 : i32 to vector<16xi32>
      %and3A_957 = arith.andi %get3A_951, %and3A_956 : vector<16xi32>
      tpu.vector_store_idx %arg14[%shift_right_logical3A_954, %and3A_957], %broadcast_in_dim3A_1 {add = true} : memref<79x128xi32, #tpu.memory_space<vmem>>[vector<16xi32>, vector<16xi32>], vector<16xi32>,
      %get3A_958 = arith.constant 112 : index
      %get3A_959 = tpu.vector_load %arg11[%get3A_958] {strides = array<i32>} : memref<128xi32, #tpu.memory_space<vmem>>, vector<16xi32>,
      %shift_right_logical3A_960 = arith.constant 7 : i32
      %shift_right_logical3A_961 = vector.broadcast %shift_right_logical3A_960 : i32 to vector<16xi32>
      %shift_right_logical3A_962 = arith.shrui %get3A_959, %shift_right_logical3A_961 : vector<16xi32>
      %and3A_963 = arith.constant 127 : i32
      %and3A_964 = vector.broadcast %and3A_963 : i32 to vector<16xi32>
      %and3A_965 = arith.andi %get3A_959, %and3A_964 : vector<16xi32>
      tpu.vector_store_idx %arg14[%shift_right_logical3A_962, %and3A_965], %broadcast_in_dim3A_1 {add = true} : memref<79x128xi32, #tpu.memory_space<vmem>>[vector<16xi32>, vector<16xi32>], vector<16xi32>,
      %dma_wait3A_966 = arith.constant 0 : i32
      %dma_wait3A_967 = arith.constant 0 : i32
      %dma_wait3A_968 = tpu.memref_slice %arg6[%dma_wait3A_966, %dma_wait3A_967] : memref<10112x128xf32, #tpu.memory_space<vmem_shared>> -> memref<10112x128xf32, #tpu.memory_space<vmem_shared>>
      tpu.wait_indirect_dma semaphore(%arg20 : memref<!tpu.dma_semaphore, #tpu.memory_space<semaphore_mem>>) src(%arg12 : memref<128x128xf32, #tpu.memory_space<vmem>>) dst(%dma_wait3A_968 : memref<10112x128xf32, #tpu.memory_space<vmem_shared>>)
      %dma_wait3A_969 = arith.constant 0 : i32
      %dma_wait3A_970 = arith.constant 0 : i32
      %dma_wait3A_971 = arith.constant 0 : i32
      %dma_wait3A_972 = tpu.memref_slice %arg3[%dma_wait3A_969, %dma_wait3A_970, %dma_wait3A_971] : memref<2500x2x128xi32, #tpu.memory_space<hbm>> -> memref<1x2x128xi32, #tpu.memory_space<hbm>>
      %dma_wait3A_973 = tpu.memref_squeeze %dma_wait3A_972 : memref<1x2x128xi32, #tpu.memory_space<hbm>> -> memref<2x128xi32, #tpu.memory_space<hbm>>
      %dma_wait3A_974 = arith.constant 0 : i32
      %dma_wait3A_975 = arith.constant 0 : i32
      %dma_wait3A_976 = tpu.memref_slice %arg3[%dma_wait3A_969, %dma_wait3A_974, %dma_wait3A_975] : memref<2500x2x128xi32, #tpu.memory_space<hbm>> -> memref<1x2x128xi32, #tpu.memory_space<hbm>>
      %dma_wait3A_977 = tpu.memref_squeeze %dma_wait3A_976 : memref<1x2x128xi32, #tpu.memory_space<hbm>> -> memref<2x128xi32, #tpu.memory_space<hbm>>
      tpu.wait_dma2 semaphore(%arg16 : memref<!tpu.dma_semaphore, #tpu.memory_space<semaphore_mem>>) src(%dma_wait3A_977 : memref<2x128xi32, #tpu.memory_space<hbm>>) dst(%arg8 : memref<2x128xi32, #tpu.memory_space<vmem>>)
      %dma_start3A_978 = arith.constant 0 : i32
      %dma_start3A_979 = arith.constant 0 : i32
      %dma_start3A_980 = tpu.memref_slice %arg8[%dma_start3A_978, %dma_start3A_979] : memref<2x128xi32, #tpu.memory_space<vmem>> -> memref<1x128xi32, #tpu.memory_space<vmem>>
      %dma_start3A_981 = tpu.memref_squeeze %dma_start3A_980 : memref<1x128xi32, #tpu.memory_space<vmem>> -> memref<128xi32, #tpu.memory_space<vmem>>
      %dma_start3A_982 = arith.constant 0 : i32
      %dma_start3A_983 = arith.constant 0 : i32
      %dma_start3A_984 = tpu.memref_slice %arg2[%dma_start3A_982, %dma_start3A_983] : memref<10000x128xf32, #tpu.memory_space<hbm>> -> memref<10000x128xf32, #tpu.memory_space<hbm>>
      tpu.enqueue_indirect_dma source(%dma_start3A_984 : memref<10000x128xf32, #tpu.memory_space<hbm>>) target(%arg12 : memref<128x128xf32, #tpu.memory_space<vmem>>) offsets(%dma_start3A_981 : memref<128xi32, #tpu.memory_space<vmem>>) semaphore(%arg18 : memref<!tpu.dma_semaphore, #tpu.memory_space<semaphore_mem>>)
    }
    %scan3A_634 = arith.constant 38 : i32
    %dma_wait3A_635 = arith.constant 0 : i32
    %dma_wait3A_636 = arith.constant 0 : i32
    %dma_wait3A_637 = tpu.memref_slice %arg8[%dma_wait3A_635, %dma_wait3A_636] : memref<2x128xi32, #tpu.memory_space<vmem>> -> memref<1x128xi32, #tpu.memory_space<vmem>>
    %dma_wait3A_638 = tpu.memref_squeeze %dma_wait3A_637 : memref<1x128xi32, #tpu.memory_space<vmem>> -> memref<128xi32, #tpu.memory_space<vmem>>
    %dma_wait3A_639 = arith.constant 0 : i32
    %dma_wait3A_640 = arith.constant 0 : i32
    %dma_wait3A_641 = tpu.memref_slice %arg2[%dma_wait3A_639, %dma_wait3A_640] : memref<10000x128xf32, #tpu.memory_space<hbm>> -> memref<10000x128xf32, #tpu.memory_space<hbm>>
    tpu.wait_indirect_dma semaphore(%arg18 : memref<!tpu.dma_semaphore, #tpu.memory_space<semaphore_mem>>) src(%dma_wait3A_641 : memref<10000x128xf32, #tpu.memory_space<hbm>>) dst(%arg12 : memref<128x128xf32, #tpu.memory_space<vmem>>)
    %dma_wait3A_642 = arith.constant 0 : i32
    %dma_wait3A_643 = arith.constant 0 : i32
    %dma_wait3A_644 = arith.constant 0 : i32
    %dma_wait3A_645 = tpu.memref_slice %arg3[%dma_wait3A_642, %dma_wait3A_643, %dma_wait3A_644] : memref<2500x2x128xi32, #tpu.memory_space<hbm>> -> memref<1x2x128xi32, #tpu.memory_space<hbm>>
    %dma_wait3A_646 = tpu.memref_squeeze %dma_wait3A_645 : memref<1x2x128xi32, #tpu.memory_space<hbm>> -> memref<2x128xi32, #tpu.memory_space<hbm>>
    %dma_wait3A_647 = arith.constant 0 : i32
    %dma_wait3A_648 = arith.constant 0 : i32
    %dma_wait3A_649 = tpu.memref_slice %arg3[%dma_wait3A_642, %dma_wait3A_647, %dma_wait3A_648] : memref<2500x2x128xi32, #tpu.memory_space<hbm>> -> memref<1x2x128xi32, #tpu.memory_space<hbm>>
    %dma_wait3A_650 = tpu.memref_squeeze %dma_wait3A_649 : memref<1x2x128xi32, #tpu.memory_space<hbm>> -> memref<2x128xi32, #tpu.memory_space<hbm>>
    tpu.wait_dma2 semaphore(%arg17 : memref<!tpu.dma_semaphore, #tpu.memory_space<semaphore_mem>>) src(%dma_wait3A_650 : memref<2x128xi32, #tpu.memory_space<hbm>>) dst(%arg9 : memref<2x128xi32, #tpu.memory_space<vmem>>)
    %dma_wait3A_651 = arith.constant 0 : i32
    %dma_wait3A_652 = arith.constant 0 : i32
    %dma_wait3A_653 = tpu.memref_slice %arg6[%dma_wait3A_651, %dma_wait3A_652] : memref<10112x128xf32, #tpu.memory_space<vmem_shared>> -> memref<10112x128xf32, #tpu.memory_space<vmem_shared>>
    tpu.wait_indirect_dma semaphore(%arg21 : memref<!tpu.dma_semaphore, #tpu.memory_space<semaphore_mem>>) src(%arg13 : memref<128x128xf32, #tpu.memory_space<vmem>>) dst(%dma_wait3A_653 : memref<10112x128xf32, #tpu.memory_space<vmem_shared>>)
    %lt3A = arith.constant 4 : i32
    %lt3A_654 = arith.cmpi slt, %add3A, %lt3A : i32
    %convert_element_type3A_655 = arith.extui %lt3A_654 : i1 to i32
    %cond3A_656 = arith.constant 0 : i32
    %cond3A_657 = arith.cmpi ne, %convert_element_type3A_655, %cond3A_656 : i32
    scf.if %cond3A_657 {
      %add3A_668 = arith.constant 2496 : i32
      %add3A_669 = arith.addi %add3A_668, %add3A : i32
      "tpu.region"() ({
        %run_scoped3A = tpu.sem_alloc : memref<!tpu.dma_semaphore, #tpu.memory_space<semaphore_mem>>
        %dma_start3A_796 = arith.constant 0 : i32
        %dma_start3A_797 = arith.constant 0 : i32
        %dma_start3A_798 = tpu.memref_slice %arg3[%add3A_669, %dma_start3A_796, %dma_start3A_797] : memref<2500x2x128xi32, #tpu.memory_space<hbm>> -> memref<1x2x128xi32, #tpu.memory_space<hbm>>
        %dma_start3A_799 = tpu.memref_squeeze %dma_start3A_798 : memref<1x2x128xi32, #tpu.memory_space<hbm>> -> memref<2x128xi32, #tpu.memory_space<hbm>>
        %dma_start3A_800 = arith.constant 0 : i32
        %dma_start3A_801 = arith.constant 0 : i32
        %dma_start3A_802 = tpu.memref_slice %arg3[%add3A_669, %dma_start3A_800, %dma_start3A_801] : memref<2500x2x128xi32, #tpu.memory_space<hbm>> -> memref<1x2x128xi32, #tpu.memory_space<hbm>>
        %dma_start3A_803 = tpu.memref_squeeze %dma_start3A_802 : memref<1x2x128xi32, #tpu.memory_space<hbm>> -> memref<2x128xi32, #tpu.memory_space<hbm>>
        tpu.enqueue_dma source(%dma_start3A_803 : memref<2x128xi32, #tpu.memory_space<hbm>>) target(%arg8 : memref<2x128xi32, #tpu.memory_space<vmem>>) target_semaphore(%run_scoped3A : memref<!tpu.dma_semaphore, #tpu.memory_space<semaphore_mem>>)
        %dma_wait3A_804 = arith.constant 0 : i32
        %dma_wait3A_805 = arith.constant 0 : i32
        %dma_wait3A_806 = tpu.memref_slice %arg3[%add3A_669, %dma_wait3A_804, %dma_wait3A_805] : memref<2500x2x128xi32, #tpu.memory_space<hbm>> -> memref<1x2x128xi32, #tpu.memory_space<hbm>>
        %dma_wait3A_807 = tpu.memref_squeeze %dma_wait3A_806 : memref<1x2x128xi32, #tpu.memory_space<hbm>> -> memref<2x128xi32, #tpu.memory_space<hbm>>
        %dma_wait3A_808 = arith.constant 0 : i32
        %dma_wait3A_809 = arith.constant 0 : i32
        %dma_wait3A_810 = tpu.memref_slice %arg3[%add3A_669, %dma_wait3A_808, %dma_wait3A_809] : memref<2500x2x128xi32, #tpu.memory_space<hbm>> -> memref<1x2x128xi32, #tpu.memory_space<hbm>>
        %dma_wait3A_811 = tpu.memref_squeeze %dma_wait3A_810 : memref<1x2x128xi32, #tpu.memory_space<hbm>> -> memref<2x128xi32, #tpu.memory_space<hbm>>
        tpu.wait_dma2 semaphore(%run_scoped3A : memref<!tpu.dma_semaphore, #tpu.memory_space<semaphore_mem>>) src(%dma_wait3A_811 : memref<2x128xi32, #tpu.memory_space<hbm>>) dst(%arg8 : memref<2x128xi32, #tpu.memory_space<vmem>>)
        tpu.yield
      }) : () -> ()
      %dma_start3A_670 = arith.constant 0 : i32
      %dma_start3A_671 = arith.constant 0 : i32
      %dma_start3A_672 = tpu.memref_slice %arg8[%dma_start3A_670, %dma_start3A_671] : memref<2x128xi32, #tpu.memory_space<vmem>> -> memref<1x128xi32, #tpu.memory_space<vmem>>
      %dma_start3A_673 = tpu.memref_squeeze %dma_start3A_672 : memref<1x128xi32, #tpu.memory_space<vmem>> -> memref<128xi32, #tpu.memory_space<vmem>>
      %dma_start3A_674 = arith.constant 0 : i32
      %dma_start3A_675 = arith.constant 0 : i32
      %dma_start3A_676 = tpu.memref_slice %arg2[%dma_start3A_674, %dma_start3A_675] : memref<10000x128xf32, #tpu.memory_space<hbm>> -> memref<10000x128xf32, #tpu.memory_space<hbm>>
      tpu.enqueue_indirect_dma source(%dma_start3A_676 : memref<10000x128xf32, #tpu.memory_space<hbm>>) target(%arg12 : memref<128x128xf32, #tpu.memory_space<vmem>>) offsets(%dma_start3A_673 : memref<128xi32, #tpu.memory_space<vmem>>) semaphore(%arg18 : memref<!tpu.dma_semaphore, #tpu.memory_space<semaphore_mem>>)
      %dma_wait3A_677 = arith.constant 0 : i32
      %dma_wait3A_678 = arith.constant 0 : i32
      %dma_wait3A_679 = tpu.memref_slice %arg8[%dma_wait3A_677, %dma_wait3A_678] : memref<2x128xi32, #tpu.memory_space<vmem>> -> memref<1x128xi32, #tpu.memory_space<vmem>>
      %dma_wait3A_680 = tpu.memref_squeeze %dma_wait3A_679 : memref<1x128xi32, #tpu.memory_space<vmem>> -> memref<128xi32, #tpu.memory_space<vmem>>
      %dma_wait3A_681 = arith.constant 0 : i32
      %dma_wait3A_682 = arith.constant 0 : i32
      %dma_wait3A_683 = tpu.memref_slice %arg2[%dma_wait3A_681, %dma_wait3A_682] : memref<10000x128xf32, #tpu.memory_space<hbm>> -> memref<10000x128xf32, #tpu.memory_space<hbm>>
      tpu.wait_indirect_dma semaphore(%arg18 : memref<!tpu.dma_semaphore, #tpu.memory_space<semaphore_mem>>) src(%dma_wait3A_683 : memref<10000x128xf32, #tpu.memory_space<hbm>>) dst(%arg12 : memref<128x128xf32, #tpu.memory_space<vmem>>)
      %get3A_684 = arith.constant 1 : i32
      %get3A_685 = arith.index_cast %get3A_684 : i32 to index
      %get3A_686 = arith.constant 0 : index
      %get3A_687 = tpu.vector_load %arg8[%get3A_685, %get3A_686] {strides = array<i32>} : memref<2x128xi32, #tpu.memory_space<vmem>>, vector<16xi32>,
      %swap3A_688 = arith.constant 0 : index
      %swap3A_689 = tpu.vector_load %arg10[%swap3A_688] {strides = array<i32>} : memref<128xi32, #tpu.memory_space<vmem>>, vector<16xi32>,
      tpu.vector_store %arg10[%swap3A_688], %get3A_687 {strides = array<i32>} : memref<128xi32, #tpu.memory_space<vmem>>, vector<16xi32>,
      %get3A_690 = arith.constant 1 : i32
      %get3A_691 = arith.index_cast %get3A_690 : i32 to index
      %get3A_692 = arith.constant 16 : index
      %get3A_693 = tpu.vector_load %arg8[%get3A_691, %get3A_692] {strides = array<i32>} : memref<2x128xi32, #tpu.memory_space<vmem>>, vector<16xi32>,
      %swap3A_694 = arith.constant 16 : index
      %swap3A_695 = tpu.vector_load %arg10[%swap3A_694] {strides = array<i32>} : memref<128xi32, #tpu.memory_space<vmem>>, vector<16xi32>,
      tpu.vector_store %arg10[%swap3A_694], %get3A_693 {strides = array<i32>} : memref<128xi32, #tpu.memory_space<vmem>>, vector<16xi32>,
      %get3A_696 = arith.constant 1 : i32
      %get3A_697 = arith.index_cast %get3A_696 : i32 to index
      %get3A_698 = arith.constant 32 : index
      %get3A_699 = tpu.vector_load %arg8[%get3A_697, %get3A_698] {strides = array<i32>} : memref<2x128xi32, #tpu.memory_space<vmem>>, vector<16xi32>,
      %swap3A_700 = arith.constant 32 : index
      %swap3A_701 = tpu.vector_load %arg10[%swap3A_700] {strides = array<i32>} : memref<128xi32, #tpu.memory_space<vmem>>, vector<16xi32>,
      tpu.vector_store %arg10[%swap3A_700], %get3A_699 {strides = array<i32>} : memref<128xi32, #tpu.memory_space<vmem>>, vector<16xi32>,
      %get3A_702 = arith.constant 1 : i32
      %get3A_703 = arith.index_cast %get3A_702 : i32 to index
      %get3A_704 = arith.constant 48 : index
      %get3A_705 = tpu.vector_load %arg8[%get3A_703, %get3A_704] {strides = array<i32>} : memref<2x128xi32, #tpu.memory_space<vmem>>, vector<16xi32>,
      %swap3A_706 = arith.constant 48 : index
      %swap3A_707 = tpu.vector_load %arg10[%swap3A_706] {strides = array<i32>} : memref<128xi32, #tpu.memory_space<vmem>>, vector<16xi32>,
      tpu.vector_store %arg10[%swap3A_706], %get3A_705 {strides = array<i32>} : memref<128xi32, #tpu.memory_space<vmem>>, vector<16xi32>,
      %get3A_708 = arith.constant 1 : i32
      %get3A_709 = arith.index_cast %get3A_708 : i32 to index
      %get3A_710 = arith.constant 64 : index
      %get3A_711 = tpu.vector_load %arg8[%get3A_709, %get3A_710] {strides = array<i32>} : memref<2x128xi32, #tpu.memory_space<vmem>>, vector<16xi32>,
      %swap3A_712 = arith.constant 64 : index
      %swap3A_713 = tpu.vector_load %arg10[%swap3A_712] {strides = array<i32>} : memref<128xi32, #tpu.memory_space<vmem>>, vector<16xi32>,
      tpu.vector_store %arg10[%swap3A_712], %get3A_711 {strides = array<i32>} : memref<128xi32, #tpu.memory_space<vmem>>, vector<16xi32>,
      %get3A_714 = arith.constant 1 : i32
      %get3A_715 = arith.index_cast %get3A_714 : i32 to index
      %get3A_716 = arith.constant 80 : index
      %get3A_717 = tpu.vector_load %arg8[%get3A_715, %get3A_716] {strides = array<i32>} : memref<2x128xi32, #tpu.memory_space<vmem>>, vector<16xi32>,
      %swap3A_718 = arith.constant 80 : index
      %swap3A_719 = tpu.vector_load %arg10[%swap3A_718] {strides = array<i32>} : memref<128xi32, #tpu.memory_space<vmem>>, vector<16xi32>,
      tpu.vector_store %arg10[%swap3A_718], %get3A_717 {strides = array<i32>} : memref<128xi32, #tpu.memory_space<vmem>>, vector<16xi32>,
      %get3A_720 = arith.constant 1 : i32
      %get3A_721 = arith.index_cast %get3A_720 : i32 to index
      %get3A_722 = arith.constant 96 : index
      %get3A_723 = tpu.vector_load %arg8[%get3A_721, %get3A_722] {strides = array<i32>} : memref<2x128xi32, #tpu.memory_space<vmem>>, vector<16xi32>,
      %swap3A_724 = arith.constant 96 : index
      %swap3A_725 = tpu.vector_load %arg10[%swap3A_724] {strides = array<i32>} : memref<128xi32, #tpu.memory_space<vmem>>, vector<16xi32>,
      tpu.vector_store %arg10[%swap3A_724], %get3A_723 {strides = array<i32>} : memref<128xi32, #tpu.memory_space<vmem>>, vector<16xi32>,
      %get3A_726 = arith.constant 1 : i32
      %get3A_727 = arith.index_cast %get3A_726 : i32 to index
      %get3A_728 = arith.constant 112 : index
      %get3A_729 = tpu.vector_load %arg8[%get3A_727, %get3A_728] {strides = array<i32>} : memref<2x128xi32, #tpu.memory_space<vmem>>, vector<16xi32>,
      %swap3A_730 = arith.constant 112 : index
      %swap3A_731 = tpu.vector_load %arg10[%swap3A_730] {strides = array<i32>} : memref<128xi32, #tpu.memory_space<vmem>>, vector<16xi32>,
      tpu.vector_store %arg10[%swap3A_730], %get3A_729 {strides = array<i32>} : memref<128xi32, #tpu.memory_space<vmem>>, vector<16xi32>,
      "tpu.region"() ({
        %run_scoped3A = tpu.sem_alloc : memref<!tpu.dma_semaphore, #tpu.memory_space<semaphore_mem>>
        %dma_start3A_796 = arith.constant 0 : i32
        %dma_start3A_797 = arith.constant 0 : i32
        %dma_start3A_798 = tpu.memref_slice %arg6[%dma_start3A_796, %dma_start3A_797] : memref<10112x128xf32, #tpu.memory_space<vmem_shared>> -> memref<10112x128xf32, #tpu.memory_space<vmem_shared>>
        tpu.enqueue_indirect_dma source(%arg12 : memref<128x128xf32, #tpu.memory_space<vmem>>) target(%dma_start3A_798 : memref<10112x128xf32, #tpu.memory_space<vmem_shared>>) offsets(%arg10 : memref<128xi32, #tpu.memory_space<vmem>>) semaphore(%run_scoped3A : memref<!tpu.dma_semaphore, #tpu.memory_space<semaphore_mem>>) {add = true}
        %dma_wait3A_799 = arith.constant 0 : i32
        %dma_wait3A_800 = arith.constant 0 : i32
        %dma_wait3A_801 = tpu.memref_slice %arg6[%dma_wait3A_799, %dma_wait3A_800] : memref<10112x128xf32, #tpu.memory_space<vmem_shared>> -> memref<10112x128xf32, #tpu.memory_space<vmem_shared>>
        tpu.wait_indirect_dma semaphore(%run_scoped3A : memref<!tpu.dma_semaphore, #tpu.memory_space<semaphore_mem>>) src(%arg12 : memref<128x128xf32, #tpu.memory_space<vmem>>) dst(%dma_wait3A_801 : memref<10112x128xf32, #tpu.memory_space<vmem_shared>>)
        tpu.yield
      }) : () -> ()
      %get3A_732 = arith.constant 0 : index
      %get3A_733 = tpu.vector_load %arg10[%get3A_732] {strides = array<i32>} : memref<128xi32, #tpu.memory_space<vmem>>, vector<16xi32>,
      %shift_right_logical3A_734 = arith.constant 7 : i32
      %shift_right_logical3A_735 = vector.broadcast %shift_right_logical3A_734 : i32 to vector<16xi32>
      %shift_right_logical3A_736 = arith.shrui %get3A_733, %shift_right_logical3A_735 : vector<16xi32>
      %and3A_737 = arith.constant 127 : i32
      %and3A_738 = vector.broadcast %and3A_737 : i32 to vector<16xi32>
      %and3A_739 = arith.andi %get3A_733, %and3A_738 : vector<16xi32>
      tpu.vector_store_idx %arg14[%shift_right_logical3A_736, %and3A_739], %broadcast_in_dim3A_1 {add = true} : memref<79x128xi32, #tpu.memory_space<vmem>>[vector<16xi32>, vector<16xi32>], vector<16xi32>,
      %get3A_740 = arith.constant 16 : index
      %get3A_741 = tpu.vector_load %arg10[%get3A_740] {strides = array<i32>} : memref<128xi32, #tpu.memory_space<vmem>>, vector<16xi32>,
      %shift_right_logical3A_742 = arith.constant 7 : i32
      %shift_right_logical3A_743 = vector.broadcast %shift_right_logical3A_742 : i32 to vector<16xi32>
      %shift_right_logical3A_744 = arith.shrui %get3A_741, %shift_right_logical3A_743 : vector<16xi32>
      %and3A_745 = arith.constant 127 : i32
      %and3A_746 = vector.broadcast %and3A_745 : i32 to vector<16xi32>
      %and3A_747 = arith.andi %get3A_741, %and3A_746 : vector<16xi32>
      tpu.vector_store_idx %arg14[%shift_right_logical3A_744, %and3A_747], %broadcast_in_dim3A_1 {add = true} : memref<79x128xi32, #tpu.memory_space<vmem>>[vector<16xi32>, vector<16xi32>], vector<16xi32>,
      %get3A_748 = arith.constant 32 : index
      %get3A_749 = tpu.vector_load %arg10[%get3A_748] {strides = array<i32>} : memref<128xi32, #tpu.memory_space<vmem>>, vector<16xi32>,
      %shift_right_logical3A_750 = arith.constant 7 : i32
      %shift_right_logical3A_751 = vector.broadcast %shift_right_logical3A_750 : i32 to vector<16xi32>
      %shift_right_logical3A_752 = arith.shrui %get3A_749, %shift_right_logical3A_751 : vector<16xi32>
      %and3A_753 = arith.constant 127 : i32
      %and3A_754 = vector.broadcast %and3A_753 : i32 to vector<16xi32>
      %and3A_755 = arith.andi %get3A_749, %and3A_754 : vector<16xi32>
      tpu.vector_store_idx %arg14[%shift_right_logical3A_752, %and3A_755], %broadcast_in_dim3A_1 {add = true} : memref<79x128xi32, #tpu.memory_space<vmem>>[vector<16xi32>, vector<16xi32>], vector<16xi32>,
      %get3A_756 = arith.constant 48 : index
      %get3A_757 = tpu.vector_load %arg10[%get3A_756] {strides = array<i32>} : memref<128xi32, #tpu.memory_space<vmem>>, vector<16xi32>,
      %shift_right_logical3A_758 = arith.constant 7 : i32
      %shift_right_logical3A_759 = vector.broadcast %shift_right_logical3A_758 : i32 to vector<16xi32>
      %shift_right_logical3A_760 = arith.shrui %get3A_757, %shift_right_logical3A_759 : vector<16xi32>
      %and3A_761 = arith.constant 127 : i32
      %and3A_762 = vector.broadcast %and3A_761 : i32 to vector<16xi32>
      %and3A_763 = arith.andi %get3A_757, %and3A_762 : vector<16xi32>
      tpu.vector_store_idx %arg14[%shift_right_logical3A_760, %and3A_763], %broadcast_in_dim3A_1 {add = true} : memref<79x128xi32, #tpu.memory_space<vmem>>[vector<16xi32>, vector<16xi32>], vector<16xi32>,
      %get3A_764 = arith.constant 64 : index
      %get3A_765 = tpu.vector_load %arg10[%get3A_764] {strides = array<i32>} : memref<128xi32, #tpu.memory_space<vmem>>, vector<16xi32>,
      %shift_right_logical3A_766 = arith.constant 7 : i32
      %shift_right_logical3A_767 = vector.broadcast %shift_right_logical3A_766 : i32 to vector<16xi32>
      %shift_right_logical3A_768 = arith.shrui %get3A_765, %shift_right_logical3A_767 : vector<16xi32>
      %and3A_769 = arith.constant 127 : i32
      %and3A_770 = vector.broadcast %and3A_769 : i32 to vector<16xi32>
      %and3A_771 = arith.andi %get3A_765, %and3A_770 : vector<16xi32>
      tpu.vector_store_idx %arg14[%shift_right_logical3A_768, %and3A_771], %broadcast_in_dim3A_1 {add = true} : memref<79x128xi32, #tpu.memory_space<vmem>>[vector<16xi32>, vector<16xi32>], vector<16xi32>,
      %get3A_772 = arith.constant 80 : index
      %get3A_773 = tpu.vector_load %arg10[%get3A_772] {strides = array<i32>} : memref<128xi32, #tpu.memory_space<vmem>>, vector<16xi32>,
      %shift_right_logical3A_774 = arith.constant 7 : i32
      %shift_right_logical3A_775 = vector.broadcast %shift_right_logical3A_774 : i32 to vector<16xi32>
      %shift_right_logical3A_776 = arith.shrui %get3A_773, %shift_right_logical3A_775 : vector<16xi32>
      %and3A_777 = arith.constant 127 : i32
      %and3A_778 = vector.broadcast %and3A_777 : i32 to vector<16xi32>
      %and3A_779 = arith.andi %get3A_773, %and3A_778 : vector<16xi32>
      tpu.vector_store_idx %arg14[%shift_right_logical3A_776, %and3A_779], %broadcast_in_dim3A_1 {add = true} : memref<79x128xi32, #tpu.memory_space<vmem>>[vector<16xi32>, vector<16xi32>], vector<16xi32>,
      %get3A_780 = arith.constant 96 : index
      %get3A_781 = tpu.vector_load %arg10[%get3A_780] {strides = array<i32>} : memref<128xi32, #tpu.memory_space<vmem>>, vector<16xi32>,
      %shift_right_logical3A_782 = arith.constant 7 : i32
      %shift_right_logical3A_783 = vector.broadcast %shift_right_logical3A_782 : i32 to vector<16xi32>
      %shift_right_logical3A_784 = arith.shrui %get3A_781, %shift_right_logical3A_783 : vector<16xi32>
      %and3A_785 = arith.constant 127 : i32
      %and3A_786 = vector.broadcast %and3A_785 : i32 to vector<16xi32>
      %and3A_787 = arith.andi %get3A_781, %and3A_786 : vector<16xi32>
      tpu.vector_store_idx %arg14[%shift_right_logical3A_784, %and3A_787], %broadcast_in_dim3A_1 {add = true} : memref<79x128xi32, #tpu.memory_space<vmem>>[vector<16xi32>, vector<16xi32>], vector<16xi32>,
      %get3A_788 = arith.constant 112 : index
      %get3A_789 = tpu.vector_load %arg10[%get3A_788] {strides = array<i32>} : memref<128xi32, #tpu.memory_space<vmem>>, vector<16xi32>,
      %shift_right_logical3A_790 = arith.constant 7 : i32
      %shift_right_logical3A_791 = vector.broadcast %shift_right_logical3A_790 : i32 to vector<16xi32>
      %shift_right_logical3A_792 = arith.shrui %get3A_789, %shift_right_logical3A_791 : vector<16xi32>
      %and3A_793 = arith.constant 127 : i32
      %and3A_794 = vector.broadcast %and3A_793 : i32 to vector<16xi32>
      %and3A_795 = arith.andi %get3A_789, %and3A_794 : vector<16xi32>
      tpu.vector_store_idx %arg14[%shift_right_logical3A_792, %and3A_795], %broadcast_in_dim3A_1 {add = true} : memref<79x128xi32, #tpu.memory_space<vmem>>[vector<16xi32>, vector<16xi32>], vector<16xi32>,
    } else {
    }
    "tpu.region"() ({
      %run_scoped3A = tpu.sem_alloc : memref<!tpu.dma_semaphore, #tpu.memory_space<semaphore_mem>>
      %dma_start3A_668 = arith.constant 0 : i32
      %dma_start3A_669 = arith.constant 0 : i32
      %dma_start3A_670 = tpu.memref_slice %arg7[%dma_start3A_668, %dma_start3A_669] : memref<79x128xi32, #tpu.memory_space<vmem_shared>> -> memref<79x128xi32, #tpu.memory_space<vmem_shared>>
      tpu.enqueue_indirect_dma source(%arg14 : memref<79x128xi32, #tpu.memory_space<vmem>>) target(%dma_start3A_670 : memref<79x128xi32, #tpu.memory_space<vmem_shared>>) offsets(%arg15 : memref<79xi32, #tpu.memory_space<vmem>>) semaphore(%run_scoped3A : memref<!tpu.dma_semaphore, #tpu.memory_space<semaphore_mem>>) {add = true}
      %dma_wait3A_671 = arith.constant 0 : i32
      %dma_wait3A_672 = arith.constant 0 : i32
      %dma_wait3A_673 = tpu.memref_slice %arg7[%dma_wait3A_671, %dma_wait3A_672] : memref<79x128xi32, #tpu.memory_space<vmem_shared>> -> memref<79x128xi32, #tpu.memory_space<vmem_shared>>
      tpu.wait_indirect_dma semaphore(%run_scoped3A : memref<!tpu.dma_semaphore, #tpu.memory_space<semaphore_mem>>) src(%arg14 : memref<79x128xi32, #tpu.memory_space<vmem>>) dst(%dma_wait3A_673 : memref<79x128xi32, #tpu.memory_space<vmem_shared>>)
      tpu.yield
    }) : () -> ()
    %barrier3A_658 = arith.constant 0 : index
    tpu.barrier barrier_id(%barrier3A_658)
    %mul3A_659 = arith.constant 632 : i32
    %mul3A_660 = arith.muli %arg1, %mul3A_659 : i32
    %mul3A_661 = arith.constant 632 : i32
    %mul3A_662 = arith.muli %arg1, %mul3A_661 : i32
    "tpu.region"() ({
      %run_scoped3A = tpu.sem_alloc : memref<!tpu.dma_semaphore, #tpu.memory_space<semaphore_mem>>
      %dma_start3A_668 = arith.constant 0 : i32
      %dma_start3A_669 = tpu.memref_slice %arg4[%arg0, %mul3A_662, %dma_start3A_668] : memref<2x10112x128xf32, #tpu.memory_space<hbm>> -> memref<1x632x128xf32, #tpu.memory_space<hbm>>
      %dma_start3A_670 = tpu.memref_squeeze %dma_start3A_669 : memref<1x632x128xf32, #tpu.memory_space<hbm>> -> memref<632x128xf32, #tpu.memory_space<hbm>>
      %dma_start3A_671 = arith.constant 0 : i32
      %dma_start3A_672 = tpu.memref_slice %arg6[%mul3A_660, %dma_start3A_671] : memref<10112x128xf32, #tpu.memory_space<vmem_shared>> -> memref<632x128xf32, #tpu.memory_space<vmem_shared>>
      tpu.enqueue_dma source(%dma_start3A_672 : memref<632x128xf32, #tpu.memory_space<vmem_shared>>) target(%dma_start3A_670 : memref<632x128xf32, #tpu.memory_space<hbm>>) target_semaphore(%run_scoped3A : memref<!tpu.dma_semaphore, #tpu.memory_space<semaphore_mem>>)
      %dma_wait3A_673 = arith.constant 0 : i32
      %dma_wait3A_674 = tpu.memref_slice %arg4[%arg0, %mul3A_662, %dma_wait3A_673] : memref<2x10112x128xf32, #tpu.memory_space<hbm>> -> memref<1x632x128xf32, #tpu.memory_space<hbm>>
      %dma_wait3A_675 = tpu.memref_squeeze %dma_wait3A_674 : memref<1x632x128xf32, #tpu.memory_space<hbm>> -> memref<632x128xf32, #tpu.memory_space<hbm>>
      %dma_wait3A_676 = arith.constant 0 : i32
      %dma_wait3A_677 = tpu.memref_slice %arg6[%mul3A_660, %dma_wait3A_676] : memref<10112x128xf32, #tpu.memory_space<vmem_shared>> -> memref<632x128xf32, #tpu.memory_space<vmem_shared>>
      tpu.wait_dma2 semaphore(%run_scoped3A : memref<!tpu.dma_semaphore, #tpu.memory_space<semaphore_mem>>) src(%dma_wait3A_677 : memref<632x128xf32, #tpu.memory_space<vmem_shared>>) dst(%dma_wait3A_675 : memref<632x128xf32, #tpu.memory_space<hbm>>)
      tpu.yield
    }) : () -> ()
    %eq3A_663 = arith.constant 0 : i32
    %eq3A_664 = arith.cmpi eq, %arg1, %eq3A_663 : i32
    %convert_element_type3A_665 = arith.extui %eq3A_664 : i1 to i32
    %cond3A_666 = arith.constant 0 : i32
    %cond3A_667 = arith.cmpi ne, %convert_element_type3A_665, %cond3A_666 : i32
    scf.if %cond3A_667 {
      "tpu.region"() ({
        %run_scoped3A = tpu.sem_alloc : memref<!tpu.dma_semaphore, #tpu.memory_space<semaphore_mem>>
        %dma_start3A_668 = arith.constant 0 : i32
        %dma_start3A_669 = arith.constant 0 : i32
        %dma_start3A_670 = tpu.memref_slice %arg5[%arg0, %dma_start3A_668, %dma_start3A_669] : memref<2x79x128xi32, #tpu.memory_space<hbm>> -> memref<1x79x128xi32, #tpu.memory_space<hbm>>
        %dma_start3A_671 = tpu.memref_squeeze %dma_start3A_670 : memref<1x79x128xi32, #tpu.memory_space<hbm>> -> memref<79x128xi32, #tpu.memory_space<hbm>>
        tpu.enqueue_dma source(%arg7 : memref<79x128xi32, #tpu.memory_space<vmem_shared>>) target(%dma_start3A_671 : memref<79x128xi32, #tpu.memory_space<hbm>>) target_semaphore(%run_scoped3A : memref<!tpu.dma_semaphore, #tpu.memory_space<semaphore_mem>>)
        %dma_wait3A_672 = arith.constant 0 : i32
        %dma_wait3A_673 = arith.constant 0 : i32
        %dma_wait3A_674 = tpu.memref_slice %arg5[%arg0, %dma_wait3A_672, %dma_wait3A_673] : memref<2x79x128xi32, #tpu.memory_space<hbm>> -> memref<1x79x128xi32, #tpu.memory_space<hbm>>
        %dma_wait3A_675 = tpu.memref_squeeze %dma_wait3A_674 : memref<1x79x128xi32, #tpu.memory_space<hbm>> -> memref<79x128xi32, #tpu.memory_space<hbm>>
        tpu.wait_dma2 semaphore(%run_scoped3A : memref<!tpu.dma_semaphore, #tpu.memory_space<semaphore_mem>>) src(%arg7 : memref<79x128xi32, #tpu.memory_space<vmem_shared>>) dst(%dma_wait3A_675 : memref<79x128xi32, #tpu.memory_space<hbm>>)
        tpu.yield
      }) : () -> ()
    } else {
    }
    return
  }
}

module attributes {stable_mosaic.version = 14 : i64} {
  func.func @body(%arg0: i32, %arg1: memref<2048x128xf32, #tpu.memory_space<vmem>>, %arg2: memref<2x2048x128xf32, #tpu.memory_space<vmem>>, %arg3: memref<2x1x2048xi32, #tpu.memory_space<vmem>>, %arg4: memref<1x2048xi32, #tpu.memory_space<vmem>>, %arg5: memref<128x128xf32, #tpu.memory_space<vmem>>, %arg6: memref<1x128xf32, #tpu.memory_space<vmem>>, %arg7: memref<128x128xf32, #tpu.memory_space<vmem>>, %arg8: memref<1x128xf32, #tpu.memory_space<vmem>>, %arg9: memref<2048x128xf32, #tpu.memory_space<vmem>>) attributes {dimension_semantics = [#tpu.dimension_semantics<arbitrary>], iteration_bounds = array<i64: 5>, scalar_prefetch = 0 : i64, scratch_operands = 0 : i64, tpu.core_type = #tpu.core_type<tc>, window_params = [{transform_indices = @transform_0, window_bounds = array<i64: 2048, 128>}, {transform_indices = @transform_1, window_bounds = array<i64: 2, 2048, 128>}, {transform_indices = @transform_2, window_bounds = array<i64: 2, 1, 2048>}, {transform_indices = @transform_3, window_bounds = array<i64: 1, 2048>}, {pipeline_mode = #tpu.pipeline_mode<synchronous>, transform_indices = @transform_4, window_bounds = array<i64: 128, 128>}, {pipeline_mode = #tpu.pipeline_mode<synchronous>, transform_indices = @transform_5, window_bounds = array<i64: 1, 128>}, {pipeline_mode = #tpu.pipeline_mode<synchronous>, transform_indices = @transform_6, window_bounds = array<i64: 128, 128>}, {pipeline_mode = #tpu.pipeline_mode<synchronous>, transform_indices = @transform_7, window_bounds = array<i64: 1, 128>}, {transform_indices = @transform_8, window_bounds = array<i64: 2048, 128>}]} {
    %get3A = arith.constant 0 : index
    %get3A_0 = arith.constant 0 : index
    %get3A_1 = arith.constant 0 : index
    %get3A_2 = vector.load %arg2[%get3A, %get3A_0, %get3A_1] : memref<2x2048x128xf32, #tpu.memory_space<vmem>>, vector<1x2048x128xf32>
    %get3A_3 = vector.shape_cast %get3A_2 : vector<1x2048x128xf32> to vector<2048x128xf32>
    %get3A_4 = arith.constant 1 : index
    %get3A_5 = arith.constant 0 : index
    %get3A_6 = arith.constant 0 : index
    %get3A_7 = vector.load %arg2[%get3A_4, %get3A_5, %get3A_6] : memref<2x2048x128xf32, #tpu.memory_space<vmem>>, vector<1x2048x128xf32>
    %get3A_8 = vector.shape_cast %get3A_7 : vector<1x2048x128xf32> to vector<2048x128xf32>
    %add3A = arith.addf %get3A_3, %get3A_8 : vector<2048x128xf32>
    %get3A_9 = arith.constant 0 : index
    %get3A_10 = arith.constant 0 : index
    %get3A_11 = arith.constant 0 : index
    %get3A_12 = vector.load %arg3[%get3A_9, %get3A_10, %get3A_11] : memref<2x1x2048xi32, #tpu.memory_space<vmem>>, vector<1x1x2048xi32>
    %get3A_13 = vector.shape_cast %get3A_12 : vector<1x1x2048xi32> to vector<1x2048xi32>
    %get3A_14 = arith.constant 1 : index
    %get3A_15 = arith.constant 0 : index
    %get3A_16 = arith.constant 0 : index
    %get3A_17 = vector.load %arg3[%get3A_14, %get3A_15, %get3A_16] : memref<2x1x2048xi32, #tpu.memory_space<vmem>>, vector<1x1x2048xi32>
    %get3A_18 = vector.shape_cast %get3A_17 : vector<1x1x2048xi32> to vector<1x2048xi32>
    %add3A_19 = arith.addi %get3A_13, %get3A_18 : vector<1x2048xi32>
    %transpose3A = tpu.transpose %add3A_19, [1, 0] : vector<1x2048xi32> -> vector<2048x1xi32>
    %convert_element_type3A = arith.sitofp %transpose3A : vector<2048x1xi32> to vector<2048x1xf32>
    %get3A_20 = arith.constant 0 : index
    %get3A_21 = arith.constant 0 : index
    %get3A_22 = vector.load %arg7[%get3A_20, %get3A_21] : memref<128x128xf32, #tpu.memory_space<vmem>>, vector<128x128xf32>
    %dot_general3A = arith.constant dense<0.000000e+00> : vector<2048x128xf32>
    %dot_general3A_23 = tpu.matmul %add3A, %get3A_22, %dot_general3A {dimension_numbers = #tpu.dot_dimension_numbers<[1], [1], [0], [0], [0, 0, 1, 0], [], []>, transpose_lhs_hint = false} : vector<2048x128xf32>, vector<128x128xf32>, vector<2048x128xf32> -> vector<2048x128xf32>
    %get3A_24 = arith.constant 0 : index
    %get3A_25 = arith.constant 0 : index
    %get3A_26 = vector.load %arg8[%get3A_24, %get3A_25] : memref<1x128xf32, #tpu.memory_space<vmem>>, vector<1x128xf32>
    %mul3A = vector.broadcast %convert_element_type3A : vector<2048x1xf32> to vector<2048x128xf32>
    %mul3A_27 = vector.broadcast %get3A_26 : vector<1x128xf32> to vector<2048x128xf32>
    %mul3A_28 = arith.mulf %mul3A, %mul3A_27 : vector<2048x128xf32>
    %add3A_29 = arith.addf %dot_general3A_23, %mul3A_28 : vector<2048x128xf32>
    %get3A_30 = arith.constant 0 : index
    %get3A_31 = arith.constant 0 : index
    %get3A_32 = vector.load %arg4[%get3A_30, %get3A_31] : memref<1x2048xi32, #tpu.memory_space<vmem>>, vector<1x2048xi32>
    %transpose3A_33 = tpu.transpose %get3A_32, [1, 0] : vector<1x2048xi32> -> vector<2048x1xi32>
    %convert_element_type3A_34 = arith.sitofp %transpose3A_33 : vector<2048x1xi32> to vector<2048x1xf32>
    %max3A = arith.constant 1.000000e+00 : f32
    %max3A_35 = vector.broadcast %max3A : f32 to vector<2048x1xf32>
    %max3A_36 = arith.maximumf %convert_element_type3A_34, %max3A_35 : vector<2048x1xf32>
    %get3A_37 = arith.constant 0 : index
    %get3A_38 = arith.constant 0 : index
    %get3A_39 = vector.load %arg1[%get3A_37, %get3A_38] : memref<2048x128xf32, #tpu.memory_space<vmem>>, vector<2048x128xf32>
    %get3A_40 = arith.constant 0 : index
    %get3A_41 = arith.constant 0 : index
    %get3A_42 = vector.load %arg5[%get3A_40, %get3A_41] : memref<128x128xf32, #tpu.memory_space<vmem>>, vector<128x128xf32>
    %dot_general3A_43 = arith.constant dense<0.000000e+00> : vector<2048x128xf32>
    %dot_general3A_44 = tpu.matmul %get3A_39, %get3A_42, %dot_general3A_43 {dimension_numbers = #tpu.dot_dimension_numbers<[1], [1], [0], [0], [0, 0, 1, 0], [], []>, transpose_lhs_hint = false} : vector<2048x128xf32>, vector<128x128xf32>, vector<2048x128xf32> -> vector<2048x128xf32>
    %get3A_45 = arith.constant 0 : index
    %get3A_46 = arith.constant 0 : index
    %get3A_47 = vector.load %arg6[%get3A_45, %get3A_46] : memref<1x128xf32, #tpu.memory_space<vmem>>, vector<1x128xf32>
    %add3A_48 = vector.broadcast %get3A_47 : vector<1x128xf32> to vector<2048x128xf32>
    %add3A_49 = arith.addf %dot_general3A_44, %add3A_48 : vector<2048x128xf32>
    %div3A = vector.broadcast %max3A_36 : vector<2048x1xf32> to vector<2048x128xf32>
    %div3A_50 = arith.divf %add3A_29, %div3A : vector<2048x128xf32>
    %add3A_51 = arith.addf %add3A_49, %div3A_50 : vector<2048x128xf32>
    %ge3A = arith.constant 0.000000e+00 : f32
    %ge3A_52 = vector.broadcast %ge3A : f32 to vector<2048x128xf32>
    %ge3A_53 = arith.cmpf oge, %add3A_51, %ge3A_52 : vector<2048x128xf32>
    %mul3A_54 = arith.constant 1.000000e-01 : f32
    %mul3A_55 = vector.broadcast %mul3A_54 : f32 to vector<2048x128xf32>
    %mul3A_56 = arith.mulf %mul3A_55, %add3A_51 : vector<2048x128xf32>
    %select_n3A = arith.select %ge3A_53, %add3A_51, %mul3A_56 : vector<2048x128xi1>, vector<2048x128xf32>
    %swap3A = arith.constant 0 : index
    %swap3A_57 = arith.constant 0 : index
    %swap3A_58 = vector.load %arg9[%swap3A, %swap3A_57] : memref<2048x128xf32, #tpu.memory_space<vmem>>, vector<2048x128xf32>
    tpu.vector_store %arg9[%swap3A, %swap3A_57], %select_n3A {strides = array<i32>} : memref<2048x128xf32, #tpu.memory_space<vmem>>, vector<2048x128xf32>,
    return
  }
  func.func @transform_0(%arg0: i32) -> (i32, i32) {
    %c0_i32 = arith.constant 0 : i32
    %c0_i32_0 = arith.constant 0 : i32
    return %arg0, %c0_i32 : i32, i32
  }
  func.func @transform_1(%arg0: i32) -> (i32, i32, i32) {
    %c0_i32 = arith.constant 0 : i32
    %c0_i32_0 = arith.constant 0 : i32
    %c0_i32_1 = arith.constant 0 : i32
    return %c0_i32, %arg0, %c0_i32_0 : i32, i32, i32
  }
  func.func @transform_2(%arg0: i32) -> (i32, i32, i32) {
    %c0_i32 = arith.constant 0 : i32
    %c0_i32_0 = arith.constant 0 : i32
    %c0_i32_1 = arith.constant 0 : i32
    return %c0_i32, %c0_i32_0, %arg0 : i32, i32, i32
  }
  func.func @transform_3(%arg0: i32) -> (i32, i32) {
    %c0_i32 = arith.constant 0 : i32
    %c0_i32_0 = arith.constant 0 : i32
    return %c0_i32, %arg0 : i32, i32
  }
  func.func @transform_4(%arg0: i32) -> (i32, i32) {
    %c0_i32 = arith.constant 0 : i32
    %c0_i32_0 = arith.constant 0 : i32
    %c0_i32_1 = arith.constant 0 : i32
    return %c0_i32, %c0_i32_0 : i32, i32
  }
  func.func @transform_5(%arg0: i32) -> (i32, i32) {
    %c0_i32 = arith.constant 0 : i32
    %c0_i32_0 = arith.constant 0 : i32
    %c0_i32_1 = arith.constant 0 : i32
    return %c0_i32, %c0_i32_0 : i32, i32
  }
  func.func @transform_6(%arg0: i32) -> (i32, i32) {
    %c0_i32 = arith.constant 0 : i32
    %c0_i32_0 = arith.constant 0 : i32
    %c0_i32_1 = arith.constant 0 : i32
    return %c0_i32, %c0_i32_0 : i32, i32
  }
  func.func @transform_7(%arg0: i32) -> (i32, i32) {
    %c0_i32 = arith.constant 0 : i32
    %c0_i32_0 = arith.constant 0 : i32
    %c0_i32_1 = arith.constant 0 : i32
    return %c0_i32, %c0_i32_0 : i32, i32
  }
  func.func @transform_8(%arg0: i32) -> (i32, i32) {
    %c0_i32 = arith.constant 0 : i32
    %c0_i32_0 = arith.constant 0 : i32
    return %arg0, %c0_i32 : i32, i32
  }
}

</mosaic_0001>

<sc_bundles>
// kernel: kernel.4.cloned.1.call-start
scs
__scs_entry_jumppad:
0x0: {  	(pc) =	sbr.rel $0x88, $3  }
0x1: {  	(tag) =	ssettag $0x0;
	lr =	simm.s32 $0x1  }
0x2: {  	[smem:$0x3F9A] =	sst lr;
	_ =	strace $0xD0000000  }
0x3: {  	_ = 	snop  }
0x4: {  	_ = 	snop  }
0x5: {  	_ = 	snop  }
0x6: {  	_ = 	snop  }
0x7: {  	_ = 	snop  }
__scs_overlays_trampoline_lowered:
0x8: {  	[smem:$0x3FA9] =	sst s0  }
0x9: {  	[smem:$0x3FAA] =	sst s1  }
0xa: {  	[smem:$0x3FAB] =	sst s2  }
0xb: {  	[smem:$0x3FAC] =	sst s3  }
0xc: {  	[smem:$0x3FAD] =	sst s4  }
0xd: {  	[smem:$0x3FAE] =	sst s5  }
0xe: {  	[smem:$0x3FAF] =	sst s6  }
0xf: {  	[smem:$0x3FB0] =	sst s7  }
0x10: {  	[smem:$0x3FB1] =	sst s8  }
0x11: {  	[smem:$0x3FB2] =	sst s9;
	s0 =	simm.s32 @!p0 $0x0  }
0x12: {  	s1 =	sld [smem:$0x3F98];
	s0 =	simm.s32 @p0 $0x1  }
0x13: {  	[smem:$0x3FB3] =	sst s0;
	s0 =	simm.s32 @!p1 $0x0  }
0x14: {  	s2 =	sld [smem:$0x3F97];
	s0 =	simm.s32 @p1 $0x1  }
0x15: {  	[smem:$0x3FB4] =	sst s0;
	s0 =	simm.s32 @!p2 $0x0  }
0x16: {  	s3 =	sld [smem:$0x3FDB];
	s0 =	simm.s32 @p2 $0x1  }
0x17: {  	s4 =	simm.s32 $0x1BF5;
	[smem:$0x3FB6] =	sst s0  }
0x18: {  	s0 =	sld [smem:$0x3F99];
	_ =	swait.ge [sflag:s4], $0x0  }
0x19: {  	s7 =	sld [smem:$0x3F9A]  }
0x1a: {  	s8 =	sadd.s32 $0xFFFFE003, lr  }
0x1b: {  	s9 =	sadd.s32 $0xFFFFFEF7, lr;
	s5 =	simm.s32 $0xFFFFFFFF;
	p2 =	slt.u32 s8, $0xFFFFF086  }
0x1c: {  	p1 =	slt.u32 s9, $0xF7A;
	s5 =	simm.s32 @!p2 $0x0  }
0x1d: {  	s5 =	simm.s32 @p1 $0x1;
	p0 =	seq.s32 s7, s2  }
0x1e: {  	s7 =	smul.u32 @!p0 $0xF7A, s2;
	p2 =	seq.s32 @!p0 s5, $0x0  }
0x1f: {  	s9 =	smul.u32 $0xF7A, s1;
	s8 =	simm.s32 @!p0 $0x1BF5;
	p2 =	por !p2, p0  }
0x20: {  	[sflag:s8] =	ssyncset.s32 @!p0 $0xFFFFF086;
	s6 =	sadd.s32 @!p0 s3, s7;
	s7 =	simm.s32 @!p0 $0x108  }
0x21: {  	s3 =	sadd.s32 s3, s9;
	s6 =	sadd.s32 @!p0 $0x88, s6;
	s7 =	simm.s32 @p2 $0x1082  }
0x22: {  	[simem:s7], [sflag:s8] =	dma.local @!p0 [hbm:s6], $0xF7A  }
0x23: {  	s9 =	sor.u32 $0xD0000000, s2;
	s6 =	simm.s32 $0x108;
	_ =	swait.ge @!p0 [sflag:s8], $0x0  }
0x24: {  	s3 =	sadd.s32 $0x88, s3;
	s6 =	simm.s32 @!p1 $0x1082;
	[sflag:s4] =	ssyncset.s32 $0xFFFFF086  }
0x25: {  	[simem:s6], [sflag:s4] =	dma.local [hbm:s3], $0xF7A  }
0x26: {  	[smem:$0x3F9A] =	sst s1;
	(tag) =	ssettag s2;
	_ =	strace s9  }
0x27: {  	s1 =	sld [smem:$0x3FAA]  }
0x28: {  	s2 =	sld [smem:$0x3FAB]  }
0x29: {  	s4 =	sld [smem:$0x3FAD]  }
0x2a: {  	p0 =	seq.s32 s5, $0x0;
	s5 =	sld [smem:$0x3FAE]  }
0x2b: {  	s6 =	sld [smem:$0x3FAF]  }
0x2c: {  	s7 =	sld [smem:$0x3FB0]  }
0x2d: {  	s3 =	simm.s32 $0x108;
	s8 =	sld [smem:$0x3FB1]  }
0x2e: {  	s3 =	simm.s32 @!p0 $0x1082;
	s9 =	sld [smem:$0x3FB2]  }
0x2f: {  	lr =	sadd.s32 s0, s3;
	s0 =	sld [smem:$0x3FA9]  }
0x30: {  	s3 =	sld [smem:$0x3FAC]  }
0x31: {  	[smem:$0x3FB5] =	sst s10  }
0x32: {  	s10 =	sld [smem:$0x3FB3];
	_ =	sdelay $0x3  }
0x33: {  	p0 =	seq.s32 s10, $0x1;
	s10 =	sld [smem:$0x3FB5];
	_ =	sdelay $0x3  }
0x34: {  	[smem:$0x3FB5] =	sst s10  }
0x35: {  	s10 =	sld [smem:$0x3FB4];
	_ =	sdelay $0x3  }
0x36: {  	p1 =	seq.s32 s10, $0x1;
	s10 =	sld [smem:$0x3FB5];
	_ =	sdelay $0x3  }
0x37: {  	[smem:$0x3FB5] =	sst s10  }
0x38: {  	s10 =	sld [smem:$0x3FB6]  }
0x39: {  	_ = 	snop;
	(pc) =	sbr.ind lr, $3  }
0x3a: {  	_ = 	snop  }
0x3b: {  	_ = 	snop  }
0x3c: {  	p2 =	seq.s32 s10, $0x1;
	s10 =	sld [smem:$0x3FB5]  }
0x3d: {  	_ =	shalt  }
0x3e: {  	_ =	shalt  }
0x3f: {  	_ =	shalt  }
0x40: {  	_ =	shalt  }
0x41: {  	_ =	shalt  }
0x42: {  	_ =	shalt  }
0x43: {  	_ =	shalt  }
0x44: {  	_ =	shalt  }
0x45: {  	_ =	shalt  }
0x46: {  	_ =	shalt  }
0x47: {  	_ =	shalt  }
0x48: {  	_ =	shalt  }
0x49: {  	_ =	shalt  }
0x4a: {  	_ =	shalt  }
0x4b: {  	_ =	shalt  }
0x4c: {  	_ =	shalt  }
0x4d: {  	_ =	shalt  }
0x4e: {  	_ =	shalt  }
0x4f: {  	_ =	shalt  }
0x50: {  	_ =	shalt  }
0x51: {  	_ =	shalt  }
0x52: {  	_ =	shalt  }
0x53: {  	_ =	shalt  }
0x54: {  	_ =	shalt  }
0x55: {  	_ =	shalt  }
0x56: {  	_ =	shalt  }
0x57: {  	_ =	shalt  }
0x58: {  	_ =	shalt  }
0x59: {  	_ =	shalt  }
0x5a: {  	_ =	shalt  }
0x5b: {  	_ =	shalt  }
0x5c: {  	_ =	shalt  }
0x5d: {  	_ =	shalt  }
0x5e: {  	_ =	shalt  }
0x5f: {  	_ =	shalt  }
0x60: {  	_ =	shalt  }
0x61: {  	_ =	shalt  }
0x62: {  	_ =	shalt  }
0x63: {  	_ =	shalt  }
0x64: {  	_ =	shalt  }
0x65: {  	_ =	shalt  }
0x66: {  	_ =	shalt  }
0x67: {  	_ =	shalt  }
0x68: {  	_ =	shalt  }
0x69: {  	_ =	shalt  }
0x6a: {  	_ =	shalt  }
0x6b: {  	_ =	shalt  }
0x6c: {  	_ =	shalt  }
0x6d: {  	_ =	shalt  }
0x6e: {  	_ =	shalt  }
0x6f: {  	_ =	shalt  }
0x70: {  	_ =	shalt  }
0x71: {  	_ =	shalt  }
0x72: {  	_ =	shalt  }
0x73: {  	_ =	shalt  }
0x74: {  	_ =	shalt  }
0x75: {  	_ =	shalt  }
0x76: {  	_ =	shalt  }
0x77: {  	_ =	shalt  }
0x78: {  	_ =	shalt  }
0x79: {  	_ =	shalt  }
0x7a: {  	_ =	shalt  }
0x7b: {  	_ =	shalt  }
0x7c: {  	_ =	shalt  }
0x7d: {  	_ =	shalt  }
0x7e: {  	_ =	shalt  }
0x7f: {  	_ =	shalt  }
0x80: {  	_ =	shalt  }
0x81: {  	_ =	shalt  }
0x82: {  	_ =	shalt  }
0x83: {  	_ =	shalt  }
0x84: {  	_ =	shalt  }
0x85: {  	_ =	shalt  }
0x86: {  	_ =	shalt  }
0x87: {  	_ =	shalt  }
.Lfunc_end0:
.L_simem_size_0:
called_computation_lowered:
.L_overlay_start_0:
0x88: {  	s2 =	sld [smem:$0x3FD9]  }
0x89: {  	s3 =	sld [smem:$0x3FFE];
	_ =	sdelay $0x1  }
0x8a: {  	s1 =	srdreg.scid  }
0x8b: {  	s0 =	sand.u32 $0x1, s1  }
0x8c: {  	s17 =	sshll.u32 s0, $0xA;
	s2 =	sadd.s32 s3, s2  }
0x8d: {  	s2 =	sadd.s32 s2, s17  }
0x8e: {  	[smem:$0x3FC1] =	sst s2  }
0x8f: {  	_ = 	snop  }
0x90: {  	s2 =	sld [smem:$0x3FC9]  }
0x91: {  	s18 =	sld [smem:$0x3FC8]  }
0x92: {  	s4 =	sld [smem:$0x3FD0];
	(tm) =	ssettm $0x1  }
0x93: {  	s5 =	sld [smem:$0x3FFB];
	_ =	sdelay $0x3  }
0x94: {  	_ =	strace s5  }
0x95: {  	s5 =	sld [smem:$0x3FFC];
	_ =	sdelay $0x3  }
0x96: {  	_ =	strace s5  }
0x97: {  	s5 =	sld [smem:$0x3FFD];
	_ =	sdelay $0x3  }
0x98: {  	_ =	strace s5  }
0x99: {  	_ =	strace $0x8FFFFFFF  }
0x9a: {  	s19 =	sld [smem:$0x3FDB];
	_ =	sdelay $0x1  }
0x9b: {  	s6 =	simm.s32 $_scs_section_size  }
0x9c: {  	s7 =	simm.s32 $_size__tile_overlayer_lowered;
	s8 =	simm.s32 $_tile_overlayer_lowered  }
0x9d: {  	s22 =	simm.s32 $0x1BFF;
	s21 =	sshll.u32 s8, $0x1;
	s5 =	sadd.s32 s6, s19  }
0x9e: {  	s9 =	simm.s32 $0x0;
	s20 =	sshll.u32 s7, $0x1;
	s7 =	sadd.s32 s21, s5  }
0x9f: {  	[timem:s9], [sflag:s22] =	dma.local [hbm:s7], s20  }
0xa0: {  	_ =	swait.ge [sflag:s22], s20  }
0xa1: {  	s6 =	ssub.s32 $0x0, s20;
	[sflag:s22] =	ssyncset.done $0x0  }
0xa2: {  	[sflag:s22] =	ssyncadd.s32 s6;
	_ =	sdelay $0x1  }
0xa3: {  	s23 =	simm.s32 $0x1B8B  }
0xa4: {  	_ =	swait.ge [sflag:s23], $0x1  }
0xa5: {  	[sflag:s23] =	ssyncset.done $0x0  }
0xa6: {  	s25 =	simm.s32 $0x1B8E;
	s24 =	sld [smem:$0x3FFE];
	[sflag:s23] =	ssyncadd.s32 $0xFFFFFFFF  }
0xa7: {  	s26 =	simm.s32 $execute0_lowered;
	[smem:$0x3FD2] =	sst s25  }
0xa8: {  	s7 =	sshll.u32 s26, $0x1;
	_ =	strace $0x80000046;
	[dreg:$0x1] =	wrdreg $0xFFFFFFFF  }
0xa9: {  	s28 =	simm.s32 $_size_execute0_lowered;
	s5 =	sadd.s32 s5, s7;
	[dreg:$0x0] =	wrdreg $0x0  }
0xaa: {  	s7 =	sshll.u32 s28, $0x1;
	[dreg:$0x2] =	wrdreg s5  }
0xab: {  	[dreg:$0x3] =	wrdreg s7  }
0xac: {  	[dreg:$0x4] =	wrdreg $0xC0  }
0xad: {  	_ =	task [dreg:s9], $0x5FFFF  }
0xae: {  	[dreg:$0x1] =	wrdreg $0xFFFFFFFF  }
0xaf: {  	[dreg:$0x0] =	wrdreg $0x60  }
0xb0: {  	[dreg:$0x2] =	wrdreg s2  }
0xb1: {  	[dreg:$0x3] =	wrdreg s18  }
0xb2: {  	[dreg:$0x4] =	wrdreg s24  }
0xb3: {  	[dreg:$0x5] =	wrdreg s4  }
0xb4: {  	[dreg:$0x6] =	wrdreg $0x0  }
0xb5: {  	[dreg:$0x7] =	wrdreg $0x13C000  }
0xb6: {  	[dreg:$0x8] =	wrdreg $0x9  }
0xb7: {  	_ =	task.clear_ibuf [dreg:s9], $0x9FFFF;
	_ =	strace $0x90000046  }
0xb8: {  	s29 =	simm.s32 $0x9;
	_ =	strace $0x80000048  }
0xb9: {  	_ =	swait.ge [sflag:s29], $0x1  }
0xba: {  	[sflag:s29] =	ssyncadd.s32 $0xFFFFFFFF  }
0xbb: {  	_ =	strace $0x90000048  }
0xbc: {  	_ =	sfence  }
0xbd: {  	s30 =	sld [smem:$0x0];
	_ =	sdelay $0x2  }
0xbe: {  	s31 =	sshll.u32 s1, $0xD;
	s1 =	sshrl.u32 s1, $0x2  }
0xbf: {  	s3 =	sand.u32 $0x4000, s31;
	s1 =	sadd.s32 s1, s30  }
0xc0: {  	s0 =	sor.u32 s3, s0;
	s1 =	sshll.u32 s1, $0x11  }
0xc1: {  	s0 =	sor.u32 s1, s0  }
0xc2: {  	s0 =	sadd.s32 $0x8F2B, s0  }
0xc3: {  	[sflag:s0] =	ssyncadd.remote.s32 $0x1  }
0xc4: {  	_ =	sfence.sel $0xFFFF  }
0xc5: {  	[dreg:$0x0] =	wrdreg $0xFFFFFFFF;
	(pc) =	sbr.abs _section_cstart, $3  }
0xc6: {  	[dreg:$0x1] =	wrdreg $0xFFFFFFFF  }
0xc7: {  	_ =	task.clear_ibuf [dreg:s9], $0x2FFFF;
	_ =	strace $0x9FFFFFFF  }
0xc8: {  	(tm) =	ssettm $0x7FFFFFFF  }
0xc9: {  	_ =	shalt  }
tec
execute0_lowered:
.L_overlay_start_1:
0x0: {  	(tag) =	ssettag $0x1  }
0x1: {  	s0 =	rddreg [dreg:$0x0]  }
0x2: {  	s2 =	rddreg [dreg:$0x1]  }
0x3: {  	s5 =	rddreg [dreg:$0x2]  }
0x4: {  	s7 =	rddreg [dreg:$0x3];
	s3 =	srdreg.scid  }
0x5: {  	s1 =	rddreg [dreg:$0x4];
	s10 =	stileid.u32;
	s4 =	simm.s32 $0x0  }
0x6: {  	s28 =	simm.s32 $0x80;
	s29 =	simm.s32 $0x18178;
	s30 =	simm.s32 $0x3  }
0x7: {  	s9 =	sand.u32 $0x1, s3;
	s3 =	rddreg [dreg:$0x5];
	s8 =	smul.u32 $0x13C00, s10  }
0x8: {  	s31 =	simm.s32 $0x1;
	[smem:$0x7FF] =	sst s4;
	s6 =	smul.u32 $0x13C000, s9  }
0x9: {  	s13 =	sshll.u32 s10, $0x6;
	s11 =	smul.u32 $0x4F000, s10;
	p0 =	sne.s32 s10, $0x0  }
0xa: {  	p1 =	sgt.u32 s10, $0x1;
	s26 =	sshll.u32 s9, $0x5;
	s6 =	sadd.s32 s8, s6  }
0xb: {  	_ =	strace $0x80000047;
	s8 =	sor.u32 s26, s13;
	s6 =	sshrl.u32 s6, $0x3  }
0xc: {  	s14 =	sshrl.u32 s11, $0x2;
	s5 =	sadd.s32 s6, s5;
	s6 =	sadd.s32 s2, s8  }
0xd: {  	[dreg:$0x7] =	wrdreg s13;
	s8 =	sadd.s32 s14, s1;
	s16 =	sadd.s32 $0x400, s6  }
0xe: {  	s10 =	simm.s32 $0x140F8;
	s2 =	sadd.s32 $0x2000, s8;
	[dreg:$0x8] =	wrdreg s16  }
0xf: {  	s12 =	ssub.s32 $0x2, s9;
	s17 =	sadd.s32 $0x4000, s8;
	[dreg:$0x9] =	wrdreg s2  }
0x10: {  	s24 =	smul.u32 $0x500, s9;
	s18 =	sadd.s32 $0x6000, s8;
	[dreg:$0xa] =	wrdreg s17  }
0x11: {  	s9 =	simm.s32 $0x4;
	s19 =	sadd.s32 $0x8000, s8;
	[dreg:$0xb] =	wrdreg s18  }
0x12: {  	s11 =	simm.s32 $0x6;
	s20 =	sadd.s32 $0xA000, s8;
	[dreg:$0xc] =	wrdreg s19  }
0x13: {  	s13 =	sshrl.u32 s12, $0x1;
	s21 =	sadd.s32 $0xC000, s8;
	[dreg:$0xd] =	wrdreg s20  }
0x14: {  	s15 =	ssub.s32 s12, s13;
	s22 =	sadd.s32 $0xE000, s8;
	[dreg:$0xe] =	wrdreg s21  }
0x15: {  	s12 =	simm.s32 $0x2;
	s23 =	sadd.s32 $0x10000, s8;
	[dreg:$0xf] =	wrdreg s22  }
0x16: {  	s13 =	simm.s32 $0x7;
	s25 =	sadd.s32 $0x12000, s8;
	[dreg:$0x10] =	wrdreg s23  }
0x17: {  	s14 =	simm.s32 $0x0;
	s26 =	sadd.s32 $0x13800, s6;
	[dreg:$0x11] =	wrdreg s25  }
0x18: {  	s18 =	sadd.s32 $0x800, s6;
	s19 =	sadd.s32 $0xC00, s6;
	[dreg:$0x12] =	wrdreg s26  }
0x19: {  	v0 =	vimm.f32 $0.0e+00;
	v1 =	vlaneseq.u32;
	s21 =	sadd.s32 $0x1600, s5;
	s22 =	sadd.s32 s7, s24;
	s23 =	smax.u32 s15, $0x1  }
0x1a: {  	v2 =	vimm.s32 $0x0;
	v7 =	vimm.s32 $0x1;
	v3 =	vor.u32 $0x10, v1;
	s24 =	simm.s32 $0x13E78;
	s25 =	simm.s32 $0x13F78;
	s26 =	simm.s32 $0x14178  }
0x1b: {  	v4 =	vor.u32 $0x20, v1;
	v5 =	vor.u32 $0x30, v1;
	v6 =	vadd.s32 $0x3F, v1;
	s2 =	simm.s32 $0x14078;
	s7 =	simm.s32 $0x1C178;
	s5 =	simm.s32 $0x5  }
.LBB2_1:
0x1c: {  	[tilespmem:s24], [sflag:$0x1] =	stream.linear.gather [hbm4b:s6+s4], $0x100, $0x38;
	[tilespmem:$0x1E9F8] =	vst v63  }
0x1d: {  	s15 =	rddreg [dreg:$0x8]  }
0x1e: {  	[tilespmem:s25], [sflag:$0x2] =	stream.linear.gather [hbm4b:s15+s4], $0x100, $0x38;
	[tilespmem:$0x1E9F8] =	vst v63  }
0x1f: {  	s16 =	simm.s32 $0x200;
	s15 =	simm.s32 $0x0  }
.LBB2_2:
0x20: {  	p2 =	sne.s32 s16, $0x7E00;
	[tilespmem:s15+$0x141E8] =	vst v0  }
0x21: {  	[tilespmem:s15+$0x14178] =	vst v0  }
0x22: {  	[tilespmem:s15+$0x14188] =	vst v0  }
.Ltmp0:
0x23: {  	[tilespmem:s15+$0x14198] =	vst v0;
	(pc) =	sbr.rel @p2 .LBB2_2-.Ltmp0, $4  }
0x24: {  	[tilespmem:s15+$0x141A8] =	vst v0  }
0x25: {  	[tilespmem:s15+$0x141B8] =	vst v0  }
0x26: {  	[tilespmem:s15+$0x141C8] =	vst v0  }
0x27: {  	[tilespmem:s15+$0x141D8] =	vst v0;
	s15 =	sshra.s32 s16, $0x2;
	s16 =	sadd.s32 $0x200, s16  }
0x28: {  	[tilespmem:s15+$0x141E8] =	vst v0  }
0x29: {  	[tilespmem:s15+$0x14178] =	vst v0  }
0x2a: {  	[tilespmem:s15+$0x14188] =	vst v0  }
0x2b: {  	[tilespmem:s15+$0x14198] =	vst v0  }
0x2c: {  	[tilespmem:s15+$0x141A8] =	vst v0  }
0x2d: {  	[tilespmem:s15+$0x141B8] =	vst v0  }
0x2e: {  	[tilespmem:s15+$0x141C8] =	vst v0  }
0x2f: {  	[tilespmem:s15+$0x141D8] =	vst v0;
	s15 =	simm.s32 $0x0;
	s16 =	simm.s32 $0x200  }
.LBB2_4:
0x30: {  	p2 =	sne.s32 s16, $0x9C00;
	[tilespmem:s15+$0x1C1E8] =	vst v2  }
0x31: {  	[tilespmem:s15+$0x1C178] =	vst v2  }
0x32: {  	[tilespmem:s15+$0x1C188] =	vst v2  }
.Ltmp1:
0x33: {  	[tilespmem:s15+$0x1C198] =	vst v2;
	(pc) =	sbr.rel @p2 .LBB2_4-.Ltmp1, $4  }
0x34: {  	[tilespmem:s15+$0x1C1A8] =	vst v2  }
0x35: {  	[tilespmem:s15+$0x1C1B8] =	vst v2  }
0x36: {  	[tilespmem:s15+$0x1C1C8] =	vst v2  }
0x37: {  	[tilespmem:s15+$0x1C1D8] =	vst v2;
	s15 =	sshra.s32 s16, $0x2;
	s16 =	sadd.s32 $0x200, s16  }
0x38: {  	[tilespmem:s15+$0x1C1E8] =	vst v2  }
0x39: {  	[tilespmem:s15+$0x1C178] =	vst v2  }
0x3a: {  	[tilespmem:s15+$0x1C188] =	vst v2  }
0x3b: {  	[tilespmem:s15+$0x1C198] =	vst v2  }
0x3c: {  	[tilespmem:s15+$0x1C1A8] =	vst v2  }
0x3d: {  	[tilespmem:s15+$0x1C1B8] =	vst v2  }
0x3e: {  	[tilespmem:s15+$0x1C1C8] =	vst v2  }
0x3f: {  	[tilespmem:s15+$0x1C1D8] =	vst v2  }
0x40: {  	[tilespmem:$0x1E978] =	vst v1  }
0x41: {  	[tilespmem:$0x1E988] =	vst v3  }
0x42: {  	[tilespmem:$0x1E998] =	vst v4  }
0x43: {  	[tilespmem:$0x1E9A8] =	vst v5  }
0x44: {  	[tilespmem:$0x1E9B7] =	vst v6  }
0x45: {  	[spmem:s8] =	stream.linear.scatter [tilespmem:s26], [sflag:$0x3], $0x2000, $0x38;
	[tilespmem:$0x1E9F8] =	vst v63  }
0x46: {  	s16 =	rddreg [dreg:$0x9]  }
0x47: {  	[spmem:s16] =	stream.linear.scatter [tilespmem:s26], [sflag:$0x3], $0x2000, $0x38;
	[tilespmem:$0x1E9F8] =	vst v63  }
0x48: {  	s17 =	rddreg [dreg:$0xa]  }
0x49: {  	[spmem:s17] =	stream.linear.scatter [tilespmem:s26], [sflag:$0x3], $0x2000, $0x38;
	[tilespmem:$0x1E9F8] =	vst v63  }
0x4a: {  	s20 =	rddreg [dreg:$0xb]  }
0x4b: {  	[spmem:s20] =	stream.linear.scatter [tilespmem:s26], [sflag:$0x3], $0x2000, $0x38;
	[tilespmem:$0x1E9F8] =	vst v63  }
0x4c: {  	s16 =	rddreg [dreg:$0xc]  }
0x4d: {  	[spmem:s16] =	stream.linear.scatter [tilespmem:s26], [sflag:$0x3], $0x2000, $0x38;
	[tilespmem:$0x1E9F8] =	vst v63  }
0x4e: {  	s17 =	rddreg [dreg:$0xd]  }
0x4f: {  	[spmem:s17] =	stream.linear.scatter [tilespmem:s26], [sflag:$0x3], $0x2000, $0x38;
	[tilespmem:$0x1E9F8] =	vst v63  }
0x50: {  	s20 =	rddreg [dreg:$0xe]  }
0x51: {  	[spmem:s20] =	stream.linear.scatter [tilespmem:s26], [sflag:$0x3], $0x2000, $0x38;
	[tilespmem:$0x1E9F8] =	vst v63  }
0x52: {  	s16 =	rddreg [dreg:$0xf]  }
0x53: {  	[spmem:s16] =	stream.linear.scatter [tilespmem:s26], [sflag:$0x3], $0x2000, $0x38;
	[tilespmem:$0x1E9F8] =	vst v63  }
0x54: {  	s17 =	rddreg [dreg:$0x10]  }
0x55: {  	[spmem:s17] =	stream.linear.scatter [tilespmem:s26], [sflag:$0x3], $0x2000, $0x38;
	[tilespmem:$0x1E9F8] =	vst v63  }
0x56: {  	s20 =	rddreg [dreg:$0x11]  }
0x57: {  	[spmem:s20] =	stream.linear.scatter [tilespmem:s26], [sflag:$0x3], $0x1C00, $0x38;
	[tilespmem:$0x1E9F8] =	vst v63  }
0x58: {  	s15 =	simm.s32 @!p0 $0x1C178  }
0x59: {  	[spmem:s3] =	stream.linear.scatter @!p0 [tilespmem:s15], [sflag:$0x7], $0x2780, $0x38;
	[tilespmem:$0x1E9F8] =	vst v63  }
0x5a: {  	s15 =	simm.s32 @!p0 $0x7  }
0x5b: {  	_ =	swait.ge @!p0 [sflag:s15], $0x2780  }
0x5c: {  	[sflag:s15] =	ssyncset.done @!p0 $0x0  }
0x5d: {  	[sflag:s15] =	ssyncadd.s32 @!p0 $0xFFFFD880;
	s15 =	simm.s32 $0x2  }
0x5e: {  	_ =	swait.ge [sflag:s15], $0x100  }
0x5f: {  	[sflag:s15] =	ssyncset.done $0x0  }
0x60: {  	[sflag:s15] =	ssyncadd.s32 $0xFFFFFF00  }
0x61: {  	[tilespmem:s29], [sflag:$0x4] =	stream.indirect.gather [hbm4b:s0+s28], $0x80, s25, s28, $0xb8;
	[tilespmem:$0x1E9F8] =	vst v63  }
0x62: {  	_ =	swait.ge [sflag:s30], $0x2000  }
0x63: {  	[sflag:s30] =	ssyncset.done $0x0  }
0x64: {  	[sflag:s30] =	ssyncadd.s32 $0xFFFFE000  }
0x65: {  	_ =	swait.ge [sflag:s30], $0x2000  }
0x66: {  	[sflag:s30] =	ssyncset.done $0x0  }
0x67: {  	[sflag:s30] =	ssyncadd.s32 $0xFFFFE000  }
0x68: {  	_ =	swait.ge [sflag:s30], $0x2000  }
0x69: {  	[sflag:s30] =	ssyncset.done $0x0  }
0x6a: {  	[sflag:s30] =	ssyncadd.s32 $0xFFFFE000  }
0x6b: {  	_ =	swait.ge [sflag:s30], $0x2000  }
0x6c: {  	[sflag:s30] =	ssyncset.done $0x0  }
0x6d: {  	[sflag:s30] =	ssyncadd.s32 $0xFFFFE000  }
0x6e: {  	_ =	swait.ge [sflag:s30], $0x2000  }
0x6f: {  	[sflag:s30] =	ssyncset.done $0x0  }
0x70: {  	[sflag:s30] =	ssyncadd.s32 $0xFFFFE000  }
0x71: {  	_ =	swait.ge [sflag:s30], $0x2000  }
0x72: {  	[sflag:s30] =	ssyncset.done $0x0  }
0x73: {  	[sflag:s30] =	ssyncadd.s32 $0xFFFFE000  }
0x74: {  	_ =	swait.ge [sflag:s30], $0x2000  }
0x75: {  	[sflag:s30] =	ssyncset.done $0x0  }
0x76: {  	[sflag:s30] =	ssyncadd.s32 $0xFFFFE000  }
0x77: {  	_ =	swait.ge [sflag:s30], $0x2000  }
0x78: {  	[sflag:s30] =	ssyncset.done $0x0  }
0x79: {  	[sflag:s30] =	ssyncadd.s32 $0xFFFFE000  }
0x7a: {  	_ =	swait.ge [sflag:s30], $0x2000  }
0x7b: {  	[sflag:s30] =	ssyncset.done $0x0  }
0x7c: {  	[sflag:s30] =	ssyncadd.s32 $0xFFFFE000  }
0x7d: {  	_ =	swait.ge [sflag:s30], $0x1C00  }
0x7e: {  	[sflag:s30] =	ssyncset.done $0x0  }
0x7f: {  	[sflag:s30] =	ssyncadd.s32 $0xFFFFE400  }
0x80: {  	_ =	swait.ge [sflag:s31], $0x100  }
0x81: {  	[sflag:s31] =	ssyncset.done $0x0  }
0x82: {  	[sflag:s31] =	ssyncadd.s32 $0xFFFFFF00  }
0x83: {  	[tilespmem:s26], [sflag:$0x3] =	stream.indirect.gather [hbm4b:s0+s28], $0x80, s24, s28, $0xb8;
	[tilespmem:$0x1E9F8] =	vst v63  }
0x84: {  	[bflag:$0x0] =	sbarrier.arrive $0xFFFF  }
0x85: {  	_ =	swait.ge [sflag:s30], $0x4000  }
0x86: {  	[sflag:s30] =	ssyncset.done $0x0  }
0x87: {  	[sflag:s30] =	ssyncadd.s32 $0xFFFFC000  }
0x88: {  	v8 =	vld [tilespmem:$0x13EF8]  }
0x89: {  	v9 =	vld [tilespmem:$0x13F08]  }
0x8a: {  	v10 =	vld [tilespmem:$0x13F18]  }
0x8b: {  	v11 =	vld [tilespmem:$0x13F28]  }
0x8c: {  	v12 =	vld [tilespmem:$0x13F38]  }
0x8d: {  	v56 =	vld [tilespmem:$0x13F58];
	[tilespmem:$0x14078] =	vst v8  }
0x8e: {  	v57 =	vld [tilespmem:$0x13F68];
	[tilespmem:$0x14088] =	vst v9  }
0x8f: {  	v8 =	vld [tilespmem:$0x13F48];
	[tilespmem:$0x14098] =	vst v10  }
0x90: {  	[tilespmem:$0x140A8] =	vst v11  }
0x91: {  	[tilespmem:$0x140B8] =	vst v12  }
0x92: {  	[tilespmem:$0x140D8] =	vst v56  }
0x93: {  	[tilespmem:$0x140E8] =	vst v57  }
0x94: {  	[tilespmem:$0x140C8] =	vst v8  }
0x95: {  	[spmem:s1] =	stream.indirect.scatter.add.f32 [tilespmem:s26], [sflag:$0x5], $0x80, s2, s28, $0xb8;
	[tilespmem:$0x1E9F8] =	vst v63  }
0x96: {  	_ = 	snop  }
0x97: {  	[tilespmem:s24], [sflag:$0x1] =	stream.linear.gather [hbm4b:s18+s4], $0x100, $0x38;
	[tilespmem:$0x1E9F8] =	vst v63  }
0x98: {  	v8 =	vld [tilespmem:$0x14078];
	_ =	sdelay $0x7  }
0x99: {  	[tilespmem:v8+s7+$0x0] =	vst.idx.add.s32.msk $0xffff, v7  }
0x9a: {  	v8 =	vld [tilespmem:$0x14088];
	_ =	sdelay $0x7  }
0x9b: {  	[tilespmem:v8+s7+$0x0] =	vst.idx.add.s32.msk $0xffff, v7  }
0x9c: {  	v8 =	vld [tilespmem:$0x14098];
	_ =	sdelay $0x7  }
0x9d: {  	[tilespmem:v8+s7+$0x0] =	vst.idx.add.s32.msk $0xffff, v7  }
0x9e: {  	v8 =	vld [tilespmem:$0x140A8];
	_ =	sdelay $0x7  }
0x9f: {  	[tilespmem:v8+s7+$0x0] =	vst.idx.add.s32.msk $0xffff, v7  }
0xa0: {  	v8 =	vld [tilespmem:$0x140B8];
	_ =	sdelay $0x7  }
0xa1: {  	[tilespmem:v8+s7+$0x0] =	vst.idx.add.s32.msk $0xffff, v7  }
0xa2: {  	v8 =	vld [tilespmem:$0x140C8];
	_ =	sdelay $0x7  }
0xa3: {  	[tilespmem:v8+s7+$0x0] =	vst.idx.add.s32.msk $0xffff, v7  }
0xa4: {  	v8 =	vld [tilespmem:$0x140D8];
	_ =	sdelay $0x7  }
0xa5: {  	[tilespmem:v8+s7+$0x0] =	vst.idx.add.s32.msk $0xffff, v7  }
0xa6: {  	v8 =	vld [tilespmem:$0x140E8];
	_ =	sdelay $0x7  }
0xa7: {  	[tilespmem:v8+s7+$0x0] =	vst.idx.add.s32.msk $0xffff, v7  }
0xa8: {  	_ =	swait.ge [sflag:s9], $0x4000  }
0xa9: {  	[sflag:s9] =	ssyncset.done $0x0  }
0xaa: {  	[sflag:s9] =	ssyncadd.s32 $0xFFFFC000  }
0xab: {  	v8 =	vld [tilespmem:$0x13FF8]  }
0xac: {  	v58 =	vld [tilespmem:$0x14008]  }
0xad: {  	v59 =	vld [tilespmem:$0x14018]  }
0xae: {  	v60 =	vld [tilespmem:$0x14028]  }
0xaf: {  	v61 =	vld [tilespmem:$0x14038]  }
0xb0: {  	v62 =	vld [tilespmem:$0x14058];
	[tilespmem:$0x140F8] =	vst v8  }
0xb1: {  	v63 =	vld [tilespmem:$0x14068];
	[tilespmem:$0x14108] =	vst v58  }
0xb2: {  	v8 =	vld [tilespmem:$0x14048];
	[tilespmem:$0x14118] =	vst v59  }
0xb3: {  	[tilespmem:$0x14128] =	vst v60  }
0xb4: {  	[tilespmem:$0x14138] =	vst v61  }
0xb5: {  	[tilespmem:$0x14158] =	vst v62  }
0xb6: {  	[tilespmem:$0x14168] =	vst v63  }
0xb7: {  	[tilespmem:$0x14148] =	vst v8  }
0xb8: {  	[spmem:s1] =	stream.indirect.scatter.add.f32 [tilespmem:s29], [sflag:$0x6], $0x80, s10, s28, $0xb8;
	[tilespmem:$0x1E9F8] =	vst v63  }
0xb9: {  	_ = 	snop  }
0xba: {  	[tilespmem:s25], [sflag:$0x2] =	stream.linear.gather [hbm4b:s19+s4], $0x100, $0x38;
	[tilespmem:$0x1E9F8] =	vst v63  }
0xbb: {  	v8 =	vld [tilespmem:$0x140F8];
	_ =	sdelay $0x7  }
0xbc: {  	[tilespmem:v8+s7+$0x0] =	vst.idx.add.s32.msk $0xffff, v7  }
0xbd: {  	v8 =	vld [tilespmem:$0x14108];
	_ =	sdelay $0x7  }
0xbe: {  	[tilespmem:v8+s7+$0x0] =	vst.idx.add.s32.msk $0xffff, v7  }
0xbf: {  	v8 =	vld [tilespmem:$0x14118];
	_ =	sdelay $0x7  }
0xc0: {  	[tilespmem:v8+s7+$0x0] =	vst.idx.add.s32.msk $0xffff, v7  }
0xc1: {  	v8 =	vld [tilespmem:$0x14128];
	_ =	sdelay $0x7  }
0xc2: {  	[tilespmem:v8+s7+$0x0] =	vst.idx.add.s32.msk $0xffff, v7  }
0xc3: {  	v8 =	vld [tilespmem:$0x14138];
	_ =	sdelay $0x7  }
0xc4: {  	[tilespmem:v8+s7+$0x0] =	vst.idx.add.s32.msk $0xffff, v7  }
0xc5: {  	v8 =	vld [tilespmem:$0x14148];
	_ =	sdelay $0x7  }
0xc6: {  	[tilespmem:v8+s7+$0x0] =	vst.idx.add.s32.msk $0xffff, v7  }
0xc7: {  	v8 =	vld [tilespmem:$0x14158];
	_ =	sdelay $0x7  }
0xc8: {  	[tilespmem:v8+s7+$0x0] =	vst.idx.add.s32.msk $0xffff, v7  }
0xc9: {  	v8 =	vld [tilespmem:$0x14168];
	_ =	sdelay $0x7  }
0xca: {  	[tilespmem:v8+s7+$0x0] =	vst.idx.add.s32.msk $0xffff, v7  }
0xcb: {  	_ =	swait.ge [sflag:s5], $0x4000  }
0xcc: {  	[sflag:s5] =	ssyncset.done $0x0  }
0xcd: {  	[sflag:s5] =	ssyncadd.s32 $0xFFFFC000  }
0xce: {  	_ =	swait.ge [sflag:s31], $0x100  }
0xcf: {  	[sflag:s31] =	ssyncset.done $0x0  }
0xd0: {  	[sflag:s31] =	ssyncadd.s32 $0xFFFFFF00  }
0xd1: {  	[tilespmem:s26], [sflag:$0x3] =	stream.indirect.gather [hbm4b:s0+s28], $0x80, s24, s28, $0xb8;
	[tilespmem:$0x1E9F8] =	vst v63  }
.LBB2_6:
0xd2: {  	_ =	swait.ge [sflag:s30], $0x4000  }
0xd3: {  	[sflag:s30] =	ssyncset.done $0x0  }
0xd4: {  	[sflag:s30] =	ssyncadd.s32 $0xFFFFC000  }
0xd5: {  	v8 =	vld [tilespmem:$0x13EF8]  }
0xd6: {  	v9 =	vld [tilespmem:$0x13F08]  }
0xd7: {  	v10 =	vld [tilespmem:$0x13F18]  }
0xd8: {  	v11 =	vld [tilespmem:$0x13F28]  }
0xd9: {  	v12 =	vld [tilespmem:$0x13F38]  }
0xda: {  	v56 =	vld [tilespmem:$0x13F58];
	[tilespmem:$0x14078] =	vst v8  }
0xdb: {  	v57 =	vld [tilespmem:$0x13F68];
	[tilespmem:$0x14088] =	vst v9  }
0xdc: {  	v8 =	vld [tilespmem:$0x13F48];
	[tilespmem:$0x14098] =	vst v10  }
0xdd: {  	[tilespmem:$0x140A8] =	vst v11  }
0xde: {  	[tilespmem:$0x140B8] =	vst v12  }
0xdf: {  	[tilespmem:$0x140D8] =	vst v56  }
0xe0: {  	s16 =	smin.u32 s15, $0x4B;
	[tilespmem:$0x140E8] =	vst v57  }
0xe1: {  	s16 =	sshll.u32 s16, $0xA;
	[tilespmem:$0x140C8] =	vst v8  }
0xe2: {  	[spmem:s1] =	stream.indirect.scatter.add.f32 [tilespmem:s26], [sflag:$0x5], $0x80, s2, s28, $0xb8;
	[tilespmem:$0x1E9F8] =	vst v63  }
0xe3: {  	s16 =	sadd.s32 s16, s18  }
0xe4: {  	[tilespmem:s24], [sflag:$0x1] =	stream.linear.gather [hbm4b:s16+s4], $0x100, $0x38;
	[tilespmem:$0x1E9F8] =	vst v63  }
0xe5: {  	v8 =	vld [tilespmem:$0x14078];
	_ =	sdelay $0x7  }
0xe6: {  	[tilespmem:v8+s7+$0x0] =	vst.idx.add.s32.msk $0xffff, v7  }
0xe7: {  	v8 =	vld [tilespmem:$0x14088];
	_ =	sdelay $0x7  }
0xe8: {  	[tilespmem:v8+s7+$0x0] =	vst.idx.add.s32.msk $0xffff, v7  }
0xe9: {  	v8 =	vld [tilespmem:$0x14098];
	_ =	sdelay $0x7  }
0xea: {  	[tilespmem:v8+s7+$0x0] =	vst.idx.add.s32.msk $0xffff, v7  }
0xeb: {  	v8 =	vld [tilespmem:$0x140A8];
	_ =	sdelay $0x7  }
0xec: {  	[tilespmem:v8+s7+$0x0] =	vst.idx.add.s32.msk $0xffff, v7  }
0xed: {  	v8 =	vld [tilespmem:$0x140B8];
	_ =	sdelay $0x7  }
0xee: {  	[tilespmem:v8+s7+$0x0] =	vst.idx.add.s32.msk $0xffff, v7  }
0xef: {  	v8 =	vld [tilespmem:$0x140C8];
	_ =	sdelay $0x7  }
0xf0: {  	[tilespmem:v8+s7+$0x0] =	vst.idx.add.s32.msk $0xffff, v7  }
0xf1: {  	v8 =	vld [tilespmem:$0x140D8];
	_ =	sdelay $0x7  }
0xf2: {  	[tilespmem:v8+s7+$0x0] =	vst.idx.add.s32.msk $0xffff, v7  }
0xf3: {  	v8 =	vld [tilespmem:$0x140E8];
	_ =	sdelay $0x7  }
0xf4: {  	[tilespmem:v8+s7+$0x0] =	vst.idx.add.s32.msk $0xffff, v7  }
0xf5: {  	_ =	swait.ge [sflag:s11], $0x4000  }
0xf6: {  	[sflag:s11] =	ssyncset.done $0x0  }
0xf7: {  	[sflag:s11] =	ssyncadd.s32 $0xFFFFC000  }
0xf8: {  	_ =	swait.ge [sflag:s12], $0x100  }
0xf9: {  	[sflag:s12] =	ssyncset.done $0x0  }
0xfa: {  	[sflag:s12] =	ssyncadd.s32 $0xFFFFFF00  }
0xfb: {  	[tilespmem:s29], [sflag:$0x4] =	stream.indirect.gather [hbm4b:s0+s28], $0x80, s25, s28, $0xb8;
	[tilespmem:$0x1E9F8] =	vst v63  }
0xfc: {  	_ =	swait.ge [sflag:s9], $0x4000  }
0xfd: {  	[sflag:s9] =	ssyncset.done $0x0  }
0xfe: {  	[sflag:s9] =	ssyncadd.s32 $0xFFFFC000  }
0xff: {  	v8 =	vld [tilespmem:$0x13FF8]  }
0x100: {  	v58 =	vld [tilespmem:$0x14008]  }
0x101: {  	v59 =	vld [tilespmem:$0x14018]  }
0x102: {  	v60 =	vld [tilespmem:$0x14028]  }
0x103: {  	v61 =	vld [tilespmem:$0x14038]  }
0x104: {  	v62 =	vld [tilespmem:$0x14058];
	[tilespmem:$0x140F8] =	vst v8  }
0x105: {  	v63 =	vld [tilespmem:$0x14068];
	[tilespmem:$0x14108] =	vst v58  }
0x106: {  	v8 =	vld [tilespmem:$0x14048];
	[tilespmem:$0x14118] =	vst v59  }
0x107: {  	[tilespmem:$0x14128] =	vst v60  }
0x108: {  	[tilespmem:$0x14138] =	vst v61  }
0x109: {  	[tilespmem:$0x14158] =	vst v62  }
0x10a: {  	s20 =	smin.u32 s15, $0x4A;
	[tilespmem:$0x14168] =	vst v63  }
0x10b: {  	s16 =	sshll.u32 s20, $0xA;
	[tilespmem:$0x14148] =	vst v8  }
0x10c: {  	[spmem:s1] =	stream.indirect.scatter.add.f32 [tilespmem:s29], [sflag:$0x6], $0x80, s10, s28, $0xb8;
	[tilespmem:$0x1E9F8] =	vst v63  }
0x10d: {  	s16 =	sadd.s32 s16, s19  }
0x10e: {  	[tilespmem:s25], [sflag:$0x2] =	stream.linear.gather [hbm4b:s16+s4], $0x100, $0x38;
	[tilespmem:$0x1E9F8] =	vst v63  }
0x10f: {  	v8 =	vld [tilespmem:$0x140F8];
	_ =	sdelay $0x7  }
0x110: {  	[tilespmem:v8+s7+$0x0] =	vst.idx.add.s32.msk $0xffff, v7  }
0x111: {  	v8 =	vld [tilespmem:$0x14108];
	_ =	sdelay $0x7  }
0x112: {  	[tilespmem:v8+s7+$0x0] =	vst.idx.add.s32.msk $0xffff, v7  }
0x113: {  	v8 =	vld [tilespmem:$0x14118];
	_ =	sdelay $0x7  }
0x114: {  	[tilespmem:v8+s7+$0x0] =	vst.idx.add.s32.msk $0xffff, v7  }
0x115: {  	v8 =	vld [tilespmem:$0x14128];
	_ =	sdelay $0x7  }
0x116: {  	[tilespmem:v8+s7+$0x0] =	vst.idx.add.s32.msk $0xffff, v7  }
0x117: {  	v8 =	vld [tilespmem:$0x14138];
	_ =	sdelay $0x7  }
0x118: {  	[tilespmem:v8+s7+$0x0] =	vst.idx.add.s32.msk $0xffff, v7  }
0x119: {  	v8 =	vld [tilespmem:$0x14148];
	_ =	sdelay $0x7  }
0x11a: {  	[tilespmem:v8+s7+$0x0] =	vst.idx.add.s32.msk $0xffff, v7  }
0x11b: {  	v8 =	vld [tilespmem:$0x14158];
	_ =	sdelay $0x7  }
0x11c: {  	[tilespmem:v8+s7+$0x0] =	vst.idx.add.s32.msk $0xffff, v7  }
0x11d: {  	v8 =	vld [tilespmem:$0x14168];
	_ =	sdelay $0x7  }
0x11e: {  	[tilespmem:v8+s7+$0x0] =	vst.idx.add.s32.msk $0xffff, v7  }
0x11f: {  	_ =	swait.ge [sflag:s5], $0x4000  }
0x120: {  	p2 =	sne.s32 s15, $0x4C;
	[sflag:s5] =	ssyncset.done $0x0  }
.Ltmp2:
0x121: {  	[sflag:s5] =	ssyncadd.s32 $0xFFFFC000;
	(pc) =	sbr.rel @p2 .LBB2_6-.Ltmp2, $4  }
0x122: {  	_ =	swait.ge [sflag:s31], $0x100  }
0x123: {  	[sflag:s31] =	ssyncset.done $0x0  }
0x124: {  	s15 =	sadd.s32 $0x2, s15;
	[sflag:s31] =	ssyncadd.s32 $0xFFFFFF00  }
0x125: {  	[tilespmem:s26], [sflag:$0x3] =	stream.indirect.gather [hbm4b:s0+s28], $0x80, s24, s28, $0xb8;
	[tilespmem:$0x1E9F8] =	vst v63  }
0x126: {  	_ =	swait.ge [sflag:s30], $0x4000  }
0x127: {  	[sflag:s30] =	ssyncset.done $0x0  }
0x128: {  	[sflag:s30] =	ssyncadd.s32 $0xFFFFC000  }
0x129: {  	_ =	swait.ge [sflag:s12], $0x100  }
0x12a: {  	[sflag:s12] =	ssyncset.done $0x0  }
0x12b: {  	[sflag:s12] =	ssyncadd.s32 $0xFFFFFF00  }
0x12c: {  	_ =	swait.ge [sflag:s11], $0x4000  }
0x12d: {  	s15 =	simm.s32 @!p1 $0x0;
	[sflag:s11] =	ssyncset.done $0x0  }
0x12e: {  	s16 =	simm.s32 @!p1 $0x13E78;
	s17 =	rddreg [dreg:$0x12];
	[sflag:s11] =	ssyncadd.s32 $0xFFFFC000  }
0x12f: {  	[tilespmem:s16], [sflag:$0x7] =	stream.linear.gather @!p1 [hbm4b:s17+s15], $0x100, $0x38;
	[tilespmem:$0x1E9F8] =	vst v63  }
0x130: {  	s15 =	simm.s32 @!p1 $0x7  }
0x131: {  	_ =	swait.ge @!p1 [sflag:s15], $0x100  }
0x132: {  	[sflag:s15] =	ssyncset.done @!p1 $0x0  }
0x133: {  	s20 =	simm.s32 @!p1 $0x14178;
	s17 =	simm.s32 @!p1 $0x80;
	[sflag:s15] =	ssyncadd.s32 @!p1 $0xFFFFFF00  }
0x134: {  	[tilespmem:s20], [sflag:$0x3] =	stream.indirect.gather @!p1 [hbm4b:s0+s17], $0x80, s16, s17, $0xb8;
	[tilespmem:$0x1E9F8] =	vst v63  }
0x135: {  	s16 =	simm.s32 @!p1 $0x3  }
0x136: {  	_ =	swait.ge @!p1 [sflag:s16], $0x4000  }
0x137: {  	[sflag:s16] =	ssyncset.done @!p1 $0x0  }
0x138: {  	[sflag:s16] =	ssyncadd.s32 @!p1 $0xFFFFC000  }
0x139: {  	v8 =	vld @!p1 [tilespmem:$0x13EF8]  }
0x13a: {  	v9 =	vld @!p1 [tilespmem:$0x13F08]  }
0x13b: {  	v10 =	vld @!p1 [tilespmem:$0x13F18]  }
0x13c: {  	v11 =	vld @!p1 [tilespmem:$0x13F28]  }
0x13d: {  	v12 =	vld @!p1 [tilespmem:$0x13F38]  }
0x13e: {  	[tilespmem:$0x14078] =	vst @!p1 v8;
	v8 =	vld @!p1 [tilespmem:$0x13F48]  }
0x13f: {  	[tilespmem:$0x14088] =	vst @!p1 v9;
	v9 =	vld @!p1 [tilespmem:$0x13F58]  }
0x140: {  	[tilespmem:$0x14098] =	vst @!p1 v10;
	v10 =	vld @!p1 [tilespmem:$0x13F68]  }
0x141: {  	[tilespmem:$0x140A8] =	vst @!p1 v11  }
0x142: {  	[tilespmem:$0x140B8] =	vst @!p1 v12  }
0x143: {  	[tilespmem:$0x140C8] =	vst @!p1 v8  }
0x144: {  	[tilespmem:$0x140D8] =	vst @!p1 v9  }
0x145: {  	s16 =	simm.s32 @!p1 $0x14078;
	[tilespmem:$0x140E8] =	vst @!p1 v10  }
0x146: {  	[spmem:s1] =	stream.indirect.scatter.add.f32 @!p1 [tilespmem:s20], [sflag:$0x7], $0x80, s16, s17, $0xb8;
	[tilespmem:$0x1E9F8] =	vst v63  }
0x147: {  	_ =	swait.ge @!p1 [sflag:s15], $0x4000  }
0x148: {  	[sflag:s15] =	ssyncset.done @!p1 $0x0  }
0x149: {  	[sflag:s15] =	ssyncadd.s32 @!p1 $0xFFFFC000  }
0x14a: {  	v8 =	vld @!p1 [tilespmem:$0x14078];
	_ =	sdelay $0x6  }
0x14b: {  	v9 =	vimm.s32 @!p1 $0x1;
	s15 =	simm.s32 @!p1 $0x1C178  }
0x14c: {  	[tilespmem:v8+s15+$0x0] =	vst.idx.add.s32.msk @!p1 $0xffff, v9  }
0x14d: {  	v8 =	vld @!p1 [tilespmem:$0x14088];
	_ =	sdelay $0x7  }
0x14e: {  	[tilespmem:v8+s15+$0x0] =	vst.idx.add.s32.msk @!p1 $0xffff, v9  }
0x14f: {  	v8 =	vld @!p1 [tilespmem:$0x14098];
	_ =	sdelay $0x7  }
0x150: {  	[tilespmem:v8+s15+$0x0] =	vst.idx.add.s32.msk @!p1 $0xffff, v9  }
0x151: {  	v8 =	vld @!p1 [tilespmem:$0x140A8];
	_ =	sdelay $0x7  }
0x152: {  	[tilespmem:v8+s15+$0x0] =	vst.idx.add.s32.msk @!p1 $0xffff, v9  }
0x153: {  	v8 =	vld @!p1 [tilespmem:$0x140B8];
	_ =	sdelay $0x7  }
0x154: {  	[tilespmem:v8+s15+$0x0] =	vst.idx.add.s32.msk @!p1 $0xffff, v9  }
0x155: {  	v8 =	vld @!p1 [tilespmem:$0x140C8];
	_ =	sdelay $0x7  }
0x156: {  	[tilespmem:v8+s15+$0x0] =	vst.idx.add.s32.msk @!p1 $0xffff, v9  }
0x157: {  	v8 =	vld @!p1 [tilespmem:$0x140D8];
	_ =	sdelay $0x7  }
0x158: {  	[tilespmem:v8+s15+$0x0] =	vst.idx.add.s32.msk @!p1 $0xffff, v9  }
0x159: {  	v8 =	vld @!p1 [tilespmem:$0x140E8];
	_ =	sdelay $0x7  }
0x15a: {  	s17 =	simm.s32 $0x4F;
	s20 =	simm.s32 $0x1E978;
	[tilespmem:v8+s15+$0x0] =	vst.idx.add.s32.msk @!p1 $0xffff, v9  }
0x15b: {  	[spmem:s3] =	stream.indirect.scatter.add.s32 [tilespmem:s7], [sflag:$0x7], $0x80, s20, s17, $0xb8;
	[tilespmem:$0x1E9F8] =	vst v63  }
0x15c: {  	_ =	swait.ge [sflag:s13], $0x2780  }
0x15d: {  	[sflag:s13] =	ssyncset.done $0x0  }
0x15e: {  	[sflag:s13] =	ssyncadd.s32 $0xFFFFD880  }
0x15f: {  	[bflag:$0x0] =	sbarrier.arrive $0xFFFF  }
0x160: {  	s17 =	rddreg [dreg:$0x7]  }
0x161: {  	s20 =	sshrl.u32 s8, $0x3;
	s15 =	sor.u32 $0x1C07, s17  }
0x162: {  	[hbm:s21], [sflag:s15] =	dma.local [spmem:s20], $0x2780  }
0x163: {  	_ =	swait.ge [sflag:s13], $0x2780  }
0x164: {  	s14 =	sadd.s32 $0x1, s14;
	[sflag:s13] =	ssyncset.done $0x0  }
0x165: {  	p2 =	sne.s32 s14, s23;
	s16 =	sshrl.u32 @!p0 s3, $0x3;
	[sflag:s13] =	ssyncadd.s32 $0xFFFFD880  }
0x166: {  	[hbm:s22], [sflag:s15] =	dma.local @!p0 [spmem:s16], $0x4F0  }
.Ltmp3:
0x167: {  	_ = 	snop;
	(pc) =	sbr.rel @p2 .LBB2_1-.Ltmp3, $4  }
0x168: {  	s15 =	simm.s32 @!p0 $0x7  }
0x169: {  	_ =	swait.ge @!p0 [sflag:s15], $0x4F0  }
0x16a: {  	[sflag:s15] =	ssyncset.done @!p0 $0x0  }
0x16b: {  	[sflag:s15] =	ssyncadd.s32 @!p0 $0xFFFFFB10  }
0x16c: {  	_ =	sfence.sel $0x180000  }
0x16d: {  	[bflag:$0x0] =	sbarrier.arrive $0xFFFF  }
0x16e: {  	_ =	strace $0x90000047  }
0x16f: {  	[bflag:$0x2] =	sbarrier.arrive $0xFFFF  }
0x170: {  	s0 =	rddreg [dreg:$0x6]  }
0x171: {  	s0 =	sadd.s32 @!p0 $0x100000, s0  }
0x172: {  	[sflag:s0] =	ssyncadd.tile.s32 @!p0 $0x1;
	_ =	shalt  }
.Lfunc_end2:
_tile_overlayer_lowered:
.L_overlay_start_2:
0x173: {  	(tag) =	ssettag $0x2  }
0x174: {  	s0 =	rddreg [dreg:$0x0];
	s2 =	stileid.u32  }
0x175: {  	s1 =	rddreg [dreg:$0x1];
	p0 =	sne.s32 s2, $0x0  }
0x176: {  	s3 =	rddreg [dreg:$0x2];
	[bflag:$0x3] =	sbarrier.arrive $0xFFFF;
	s2 =	simm.s32 @!p0 $0x1C07  }
0x177: {  	[timem:s3], [sflag:s2] =	dma.local @!p0 [hbm:s0], s1  }
0x178: {  	s0 =	simm.s32 @!p0 $0x7  }
0x179: {  	_ =	swait.ge @!p0 [sflag:s0], s1  }
0x17a: {  	s1 =	ssub.s32 @!p0 $0x0, s1;
	[sflag:s0] =	ssyncset.done @!p0 $0x0  }
0x17b: {  	[sflag:s0] =	ssyncadd.s32 @!p0 s1  }
0x17c: {  	[bflag:$0x3] =	sbarrier.arrive $0xFFFF  }
0x17d: {  	_ =	shalt  }

</sc_bundles>
